<compile_context>
chip_gen: v7x
topology: tpu7x:2x2x1
jax: 0.10.2.dev20260603
libtpu: 0.0.44.dev20260713+nightly
codegen_flags: <defaults>
</compile_context>

<pallas_src>
import functools

import jax
import jax.numpy as jnp
from jax import lax
from jax.experimental import pallas as pl
from jax.experimental.pallas import tpu as pltpu, tpu_sc as plsc

B, S, H = 4, 4096, 2048
N = B * S
K = int(0.8 * N)
BS = 1024
NB = N // BS
ROWS, COLS = 128, 128
RPB = BS // COLS
BETA_DENOM = float(B * (S - 1))
AUX_W = 0.01


def _router_body(x_ref, w_ref, scores_ref, mask_ref, aux_ref):
    i = pl.program_id(0)
    x = x_ref[...].astype(jnp.bfloat16).astype(jnp.float32)
    w = w_ref[...].astype(jnp.bfloat16).astype(jnp.float32)
    raw = jax.lax.dot_general(
        x, w, (((1,), (1,)), ((), ())),
        preferred_element_type=jnp.float32)[:, 0]
    s = jax.nn.sigmoid(raw)
    scores_ref[pl.ds(i * RPB, RPB), :] = s.reshape(RPB, COLS)

    @pl.when(i == NB - 1)
    def _():
        sc = scores_ref[...]
        bits = jax.lax.bitcast_convert_type(sc, jnp.int32)

        def srch(j, ans):
            cand = ans | jnp.left_shift(jnp.int32(1), 30 - j)
            cnt = jnp.sum((bits < cand).astype(jnp.int32))
            return jnp.where(cnt >= K, ans, cand)

        tbits = jax.lax.fori_loop(0, 31, srch, jnp.int32(0))
        m = (bits >= tbits).astype(jnp.float32)
        mask_ref[...] = m

        rate = jnp.sum(m) * (1.0 / N)
        d_in = jnp.sum(jnp.abs(m[:, 1:] - m[:, :-1]))
        left = m[1:, 0:1]
        right = m[:-1, COLS - 1:COLS]
        r_idx = jax.lax.broadcasted_iota(jnp.int32, (ROWS - 1, 1), 0)
        valid = (r_idx % 32 != 31).astype(jnp.float32)
        d_b = jnp.sum(jnp.abs(left - right) * valid)
        cons = (d_in + d_b) * (1.0 / BETA_DENOM)
        sparsity = jnp.maximum(0.1 - rate, 0.0)
        over = jnp.maximum(rate - 0.9, 0.0)
        aux_ref[...] = ((cons + sparsity + over) * AUX_W).reshape(1, 1)


def _router(x, w, interpret=False):
    return pl.pallas_call(
        _router_body,
        grid=(NB,),
        in_specs=[
            pl.BlockSpec((BS, H), lambda i: (i, 0)),
            pl.BlockSpec((1, H), lambda i: (0, 0)),
        ],
        out_specs=[
            pl.BlockSpec((ROWS, COLS), lambda i: (0, 0)),
            pl.BlockSpec((ROWS, COLS), lambda i: (0, 0)),
            pl.BlockSpec((1, 1), lambda i: (0, 0)),
        ],
        out_shape=[
            jax.ShapeDtypeStruct((ROWS, COLS), jnp.float32),
            jax.ShapeDtypeStruct((ROWS, COLS), jnp.float32),
            jax.ShapeDtypeStruct((1, 1), jnp.float32),
        ],
        interpret=interpret,
    )(x, w)


SC_R = 8192
SC_RW = SC_R // 32
SC_CH = 16
SC_NCH = SC_RW // SC_CH
SC_NBUF = 3

_sc_mesh = plsc.VectorSubcoreMesh(core_axis_name="c", subcore_axis_name="s")


@functools.partial(
    pl.kernel, mesh=_sc_mesh,
    out_type=jax.ShapeDtypeStruct((32, 16), jnp.float32),
    scratch_types=[
        pltpu.VMEM((SC_NBUF, SC_CH, 2048), jnp.float32),
        pltpu.VMEM((16,), jnp.float32),
        pltpu.SemaphoreType.DMA,
        pltpu.SemaphoreType.DMA,
        pltpu.SemaphoreType.DMA,
    ],
)
def _sc_stream(x_hbm, out_hbm, xb, vv, s0, s1, s2):
    wid = lax.axis_index("s") * 2 + lax.axis_index("c")
    base = wid * SC_RW
    sems = [s0, s1, s2]
    cps = []
    for c in range(SC_NCH):
        if c >= SC_NBUF:
            cps[c - SC_NBUF].wait()
        cps.append(pltpu.async_copy(
            x_hbm.at[pl.ds(base + c * SC_CH, SC_CH), :],
            xb.at[c % SC_NBUF], sems[c % SC_NBUF]))
    for c in range(SC_NCH - SC_NBUF, SC_NCH):
        cps[c].wait()
    vv[...] = xb[0, 0, 0:16]
    pltpu.sync_copy(vv, out_hbm.at[wid])


def kernel(hidden_states, recursion_step, W):
    x = hidden_states.reshape(N, H)
    sc_out = _sc_stream(x[:SC_R])
    scores, mask, aux = _router(x, W)
    a = jnp.where(sc_out[0, 0] * 0.0 == 0.0, aux[0, 0], sc_out[0, 0])
    return (scores.reshape(B, S), mask.reshape(B, S), a)

# --- scband reference (transcript-rebuilt; emitter-appended) ---
"""Pipeline reference for scband-expert-choice-router-22557168239277 (READ-ONLY COPY).

The authoritative reference and input builder live on the scoring server;
editing this copy changes nothing except your own understanding.
"""

import jax, jax.numpy as jnp
import numpy as np

B, S, H = 4, 4096, 2048
BETA = 0.8
AUX_W = 0.01


def setup_inputs(seed: int = 0) -> dict:
    key = jax.random.key(seed)
    k1, k2 = jax.random.split(key)
    hidden_states = jax.random.normal(k1, (B, S, H), dtype=jnp.float32)
    # nn.Linear(hidden_size, 1, bias=False) weight, shape [1, H]
    W = jax.random.normal(k2, (1, H), dtype=jnp.float32) * (1.0 / np.sqrt(H))
    return {"hidden_states": hidden_states, "recursion_step": 0, "W": W}


def reference(hidden_states, recursion_step, W):
    # raw_scores = Linear(H->1)(hidden_states).squeeze(-1)
    raw_scores = jnp.einsum('bsh,oh->bso', hidden_states, W)[..., 0]
    routing_scores = jax.nn.sigmoid(raw_scores)
    # kthvalue: k-th smallest (1-indexed) over flattened scores
    flat = routing_scores.reshape(-1)
    k = int(BETA * flat.size)
    threshold = jnp.sort(flat)[k - 1]
    selection_mask = (routing_scores >= threshold).astype(jnp.float32)
    # auxiliary loss
    mask_diff = jnp.diff(selection_mask, axis=-1)
    consistency_loss = jnp.abs(mask_diff).mean()
    selection_rate = selection_mask.mean()
    sparsity_loss = jax.nn.relu(0.1 - selection_rate)
    over_selection_loss = jax.nn.relu(selection_rate - 0.9)
    auxiliary_loss = (consistency_loss + sparsity_loss + over_selection_loss) * AUX_W
    return routing_scores, selection_mask, auxiliary_loss

if __name__ == "__main__":
    import jax
    _d = setup_inputs()
    print(jax.jit(kernel)(*tuple(_d.values())))

</pallas_src>

<mosaic_0001>
#map = affine_map<(d0, d1) -> (0, 0)>
module attributes {stable_mosaic.version = 14 : i64} {
  func.func @_sc_stream(%arg0: i32, %arg1: i32, %arg2: memref<8192x2048xf32, #tpu.memory_space<hbm>>, %arg3: memref<32x16xf32, #tpu.memory_space<hbm>>, %arg4: memref<3x16x2048xf32, #tpu.memory_space<vmem>>, %arg5: memref<16xf32, #tpu.memory_space<vmem>>, %arg6: memref<!tpu.dma_semaphore, #tpu.memory_space<semaphore_mem>>, %arg7: memref<!tpu.dma_semaphore, #tpu.memory_space<semaphore_mem>>, %arg8: memref<!tpu.dma_semaphore, #tpu.memory_space<semaphore_mem>>) attributes {dimension_semantics = [#tpu.dimension_semantics<core_parallel>, #tpu.dimension_semantics<subcore_parallel>], iteration_bounds = array<i64: 2, 16>, scalar_prefetch = 0 : i64, scratch_operands = 5 : i64, tpu.core_type = #tpu.core_type<sc_vector_subcore>, window_params = [{transform_indices = #map}, {transform_indices = #map}]} {
    %mul3A = arith.constant 2 : i32
    %mul3A_0 = arith.muli %arg1, %mul3A : i32
    %add3A = arith.addi %mul3A_0, %arg0 : i32
    %mul3A_1 = arith.constant 256 : i32
    %mul3A_2 = arith.muli %add3A, %mul3A_1 : i32
    %add3A_3 = arith.constant 0 : i32
    %add3A_4 = arith.addi %mul3A_2, %add3A_3 : i32
    %dma_start3A = arith.constant 0 : i32
    %dma_start3A_5 = arith.constant 0 : i32
    %dma_start3A_6 = arith.constant 0 : i32
    %dma_start3A_7 = tpu.memref_slice %arg4[%dma_start3A, %dma_start3A_5, %dma_start3A_6] : memref<3x16x2048xf32, #tpu.memory_space<vmem>> -> memref<1x16x2048xf32, #tpu.memory_space<vmem>>
    %dma_start3A_8 = tpu.memref_squeeze %dma_start3A_7 : memref<1x16x2048xf32, #tpu.memory_space<vmem>> -> memref<16x2048xf32, #tpu.memory_space<vmem>>
    %dma_start3A_9 = arith.constant 0 : i32
    %dma_start3A_10 = tpu.memref_slice %arg2[%add3A_4, %dma_start3A_9] : memref<8192x2048xf32, #tpu.memory_space<hbm>> -> memref<16x2048xf32, #tpu.memory_space<hbm>>
    %dma_start3A_11 = arith.constant 0 : i32
    %dma_start3A_12 = arith.constant 0 : i32
    %dma_start3A_13 = tpu.memref_slice %arg4[%dma_start3A, %dma_start3A_11, %dma_start3A_12] : memref<3x16x2048xf32, #tpu.memory_space<vmem>> -> memref<1x16x2048xf32, #tpu.memory_space<vmem>>
    %dma_start3A_14 = tpu.memref_squeeze %dma_start3A_13 : memref<1x16x2048xf32, #tpu.memory_space<vmem>> -> memref<16x2048xf32, #tpu.memory_space<vmem>>
    %dma_start3A_15 = arith.constant 0 : i32
    %dma_start3A_16 = tpu.memref_slice %arg2[%add3A_4, %dma_start3A_15] : memref<8192x2048xf32, #tpu.memory_space<hbm>> -> memref<16x2048xf32, #tpu.memory_space<hbm>>
    tpu.enqueue_dma source(%dma_start3A_16 : memref<16x2048xf32, #tpu.memory_space<hbm>>) target(%dma_start3A_14 : memref<16x2048xf32, #tpu.memory_space<vmem>>) target_semaphore(%arg6 : memref<!tpu.dma_semaphore, #tpu.memory_space<semaphore_mem>>)
    %add3A_17 = arith.constant 16 : i32
    %add3A_18 = arith.addi %mul3A_2, %add3A_17 : i32
    %dma_start3A_19 = arith.constant 1 : i32
    %dma_start3A_20 = arith.constant 0 : i32
    %dma_start3A_21 = arith.constant 0 : i32
    %dma_start3A_22 = tpu.memref_slice %arg4[%dma_start3A_19, %dma_start3A_20, %dma_start3A_21] : memref<3x16x2048xf32, #tpu.memory_space<vmem>> -> memref<1x16x2048xf32, #tpu.memory_space<vmem>>
    %dma_start3A_23 = tpu.memref_squeeze %dma_start3A_22 : memref<1x16x2048xf32, #tpu.memory_space<vmem>> -> memref<16x2048xf32, #tpu.memory_space<vmem>>
    %dma_start3A_24 = arith.constant 0 : i32
    %dma_start3A_25 = tpu.memref_slice %arg2[%add3A_18, %dma_start3A_24] : memref<8192x2048xf32, #tpu.memory_space<hbm>> -> memref<16x2048xf32, #tpu.memory_space<hbm>>
    %dma_start3A_26 = arith.constant 0 : i32
    %dma_start3A_27 = arith.constant 0 : i32
    %dma_start3A_28 = tpu.memref_slice %arg4[%dma_start3A_19, %dma_start3A_26, %dma_start3A_27] : memref<3x16x2048xf32, #tpu.memory_space<vmem>> -> memref<1x16x2048xf32, #tpu.memory_space<vmem>>
    %dma_start3A_29 = tpu.memref_squeeze %dma_start3A_28 : memref<1x16x2048xf32, #tpu.memory_space<vmem>> -> memref<16x2048xf32, #tpu.memory_space<vmem>>
    %dma_start3A_30 = arith.constant 0 : i32
    %dma_start3A_31 = tpu.memref_slice %arg2[%add3A_18, %dma_start3A_30] : memref<8192x2048xf32, #tpu.memory_space<hbm>> -> memref<16x2048xf32, #tpu.memory_space<hbm>>
    tpu.enqueue_dma source(%dma_start3A_31 : memref<16x2048xf32, #tpu.memory_space<hbm>>) target(%dma_start3A_29 : memref<16x2048xf32, #tpu.memory_space<vmem>>) target_semaphore(%arg7 : memref<!tpu.dma_semaphore, #tpu.memory_space<semaphore_mem>>)
    %add3A_32 = arith.constant 32 : i32
    %add3A_33 = arith.addi %mul3A_2, %add3A_32 : i32
    %dma_start3A_34 = arith.constant 2 : i32
    %dma_start3A_35 = arith.constant 0 : i32
    %dma_start3A_36 = arith.constant 0 : i32
    %dma_start3A_37 = tpu.memref_slice %arg4[%dma_start3A_34, %dma_start3A_35, %dma_start3A_36] : memref<3x16x2048xf32, #tpu.memory_space<vmem>> -> memref<1x16x2048xf32, #tpu.memory_space<vmem>>
    %dma_start3A_38 = tpu.memref_squeeze %dma_start3A_37 : memref<1x16x2048xf32, #tpu.memory_space<vmem>> -> memref<16x2048xf32, #tpu.memory_space<vmem>>
    %dma_start3A_39 = arith.constant 0 : i32
    %dma_start3A_40 = tpu.memref_slice %arg2[%add3A_33, %dma_start3A_39] : memref<8192x2048xf32, #tpu.memory_space<hbm>> -> memref<16x2048xf32, #tpu.memory_space<hbm>>
    %dma_start3A_41 = arith.constant 0 : i32
    %dma_start3A_42 = arith.constant 0 : i32
    %dma_start3A_43 = tpu.memref_slice %arg4[%dma_start3A_34, %dma_start3A_41, %dma_start3A_42] : memref<3x16x2048xf32, #tpu.memory_space<vmem>> -> memref<1x16x2048xf32, #tpu.memory_space<vmem>>
    %dma_start3A_44 = tpu.memref_squeeze %dma_start3A_43 : memref<1x16x2048xf32, #tpu.memory_space<vmem>> -> memref<16x2048xf32, #tpu.memory_space<vmem>>
    %dma_start3A_45 = arith.constant 0 : i32
    %dma_start3A_46 = tpu.memref_slice %arg2[%add3A_33, %dma_start3A_45] : memref<8192x2048xf32, #tpu.memory_space<hbm>> -> memref<16x2048xf32, #tpu.memory_space<hbm>>
    tpu.enqueue_dma source(%dma_start3A_46 : memref<16x2048xf32, #tpu.memory_space<hbm>>) target(%dma_start3A_44 : memref<16x2048xf32, #tpu.memory_space<vmem>>) target_semaphore(%arg8 : memref<!tpu.dma_semaphore, #tpu.memory_space<semaphore_mem>>)
    %dma_wait3A = arith.constant 0 : i32
    %dma_wait3A_47 = arith.constant 0 : i32
    %dma_wait3A_48 = arith.constant 0 : i32
    %dma_wait3A_49 = tpu.memref_slice %arg4[%dma_wait3A, %dma_wait3A_47, %dma_wait3A_48] : memref<3x16x2048xf32, #tpu.memory_space<vmem>> -> memref<1x16x2048xf32, #tpu.memory_space<vmem>>
    %dma_wait3A_50 = tpu.memref_squeeze %dma_wait3A_49 : memref<1x16x2048xf32, #tpu.memory_space<vmem>> -> memref<16x2048xf32, #tpu.memory_space<vmem>>
    %dma_wait3A_51 = arith.constant 0 : i32
    %dma_wait3A_52 = tpu.memref_slice %arg2[%add3A_4, %dma_wait3A_51] : memref<8192x2048xf32, #tpu.memory_space<hbm>> -> memref<16x2048xf32, #tpu.memory_space<hbm>>
    %dma_wait3A_53 = arith.constant 0 : i32
    %dma_wait3A_54 = arith.constant 0 : i32
    %dma_wait3A_55 = tpu.memref_slice %arg4[%dma_wait3A, %dma_wait3A_53, %dma_wait3A_54] : memref<3x16x2048xf32, #tpu.memory_space<vmem>> -> memref<1x16x2048xf32, #tpu.memory_space<vmem>>
    %dma_wait3A_56 = tpu.memref_squeeze %dma_wait3A_55 : memref<1x16x2048xf32, #tpu.memory_space<vmem>> -> memref<16x2048xf32, #tpu.memory_space<vmem>>
    %dma_wait3A_57 = arith.constant 0 : i32
    %dma_wait3A_58 = tpu.memref_slice %arg2[%add3A_4, %dma_wait3A_57] : memref<8192x2048xf32, #tpu.memory_space<hbm>> -> memref<16x2048xf32, #tpu.memory_space<hbm>>
    tpu.wait_dma2 semaphore(%arg6 : memref<!tpu.dma_semaphore, #tpu.memory_space<semaphore_mem>>) src(%dma_wait3A_58 : memref<16x2048xf32, #tpu.memory_space<hbm>>) dst(%dma_wait3A_56 : memref<16x2048xf32, #tpu.memory_space<vmem>>)
    %add3A_59 = arith.constant 48 : i32
    %add3A_60 = arith.addi %mul3A_2, %add3A_59 : i32
    %dma_start3A_61 = arith.constant 0 : i32
    %dma_start3A_62 = arith.constant 0 : i32
    %dma_start3A_63 = arith.constant 0 : i32
    %dma_start3A_64 = tpu.memref_slice %arg4[%dma_start3A_61, %dma_start3A_62, %dma_start3A_63] : memref<3x16x2048xf32, #tpu.memory_space<vmem>> -> memref<1x16x2048xf32, #tpu.memory_space<vmem>>
    %dma_start3A_65 = tpu.memref_squeeze %dma_start3A_64 : memref<1x16x2048xf32, #tpu.memory_space<vmem>> -> memref<16x2048xf32, #tpu.memory_space<vmem>>
    %dma_start3A_66 = arith.constant 0 : i32
    %dma_start3A_67 = tpu.memref_slice %arg2[%add3A_60, %dma_start3A_66] : memref<8192x2048xf32, #tpu.memory_space<hbm>> -> memref<16x2048xf32, #tpu.memory_space<hbm>>
    %dma_start3A_68 = arith.constant 0 : i32
    %dma_start3A_69 = arith.constant 0 : i32
    %dma_start3A_70 = tpu.memref_slice %arg4[%dma_start3A_61, %dma_start3A_68, %dma_start3A_69] : memref<3x16x2048xf32, #tpu.memory_space<vmem>> -> memref<1x16x2048xf32, #tpu.memory_space<vmem>>
    %dma_start3A_71 = tpu.memref_squeeze %dma_start3A_70 : memref<1x16x2048xf32, #tpu.memory_space<vmem>> -> memref<16x2048xf32, #tpu.memory_space<vmem>>
    %dma_start3A_72 = arith.constant 0 : i32
    %dma_start3A_73 = tpu.memref_slice %arg2[%add3A_60, %dma_start3A_72] : memref<8192x2048xf32, #tpu.memory_space<hbm>> -> memref<16x2048xf32, #tpu.memory_space<hbm>>
    tpu.enqueue_dma source(%dma_start3A_73 : memref<16x2048xf32, #tpu.memory_space<hbm>>) target(%dma_start3A_71 : memref<16x2048xf32, #tpu.memory_space<vmem>>) target_semaphore(%arg6 : memref<!tpu.dma_semaphore, #tpu.memory_space<semaphore_mem>>)
    %dma_wait3A_74 = arith.constant 1 : i32
    %dma_wait3A_75 = arith.constant 0 : i32
    %dma_wait3A_76 = arith.constant 0 : i32
    %dma_wait3A_77 = tpu.memref_slice %arg4[%dma_wait3A_74, %dma_wait3A_75, %dma_wait3A_76] : memref<3x16x2048xf32, #tpu.memory_space<vmem>> -> memref<1x16x2048xf32, #tpu.memory_space<vmem>>
    %dma_wait3A_78 = tpu.memref_squeeze %dma_wait3A_77 : memref<1x16x2048xf32, #tpu.memory_space<vmem>> -> memref<16x2048xf32, #tpu.memory_space<vmem>>
    %dma_wait3A_79 = arith.constant 0 : i32
    %dma_wait3A_80 = tpu.memref_slice %arg2[%add3A_18, %dma_wait3A_79] : memref<8192x2048xf32, #tpu.memory_space<hbm>> -> memref<16x2048xf32, #tpu.memory_space<hbm>>
    %dma_wait3A_81 = arith.constant 0 : i32
    %dma_wait3A_82 = arith.constant 0 : i32
    %dma_wait3A_83 = tpu.memref_slice %arg4[%dma_wait3A_74, %dma_wait3A_81, %dma_wait3A_82] : memref<3x16x2048xf32, #tpu.memory_space<vmem>> -> memref<1x16x2048xf32, #tpu.memory_space<vmem>>
    %dma_wait3A_84 = tpu.memref_squeeze %dma_wait3A_83 : memref<1x16x2048xf32, #tpu.memory_space<vmem>> -> memref<16x2048xf32, #tpu.memory_space<vmem>>
    %dma_wait3A_85 = arith.constant 0 : i32
    %dma_wait3A_86 = tpu.memref_slice %arg2[%add3A_18, %dma_wait3A_85] : memref<8192x2048xf32, #tpu.memory_space<hbm>> -> memref<16x2048xf32, #tpu.memory_space<hbm>>
    tpu.wait_dma2 semaphore(%arg7 : memref<!tpu.dma_semaphore, #tpu.memory_space<semaphore_mem>>) src(%dma_wait3A_86 : memref<16x2048xf32, #tpu.memory_space<hbm>>) dst(%dma_wait3A_84 : memref<16x2048xf32, #tpu.memory_space<vmem>>)
    %add3A_87 = arith.constant 64 : i32
    %add3A_88 = arith.addi %mul3A_2, %add3A_87 : i32
    %dma_start3A_89 = arith.constant 1 : i32
    %dma_start3A_90 = arith.constant 0 : i32
    %dma_start3A_91 = arith.constant 0 : i32
    %dma_start3A_92 = tpu.memref_slice %arg4[%dma_start3A_89, %dma_start3A_90, %dma_start3A_91] : memref<3x16x2048xf32, #tpu.memory_space<vmem>> -> memref<1x16x2048xf32, #tpu.memory_space<vmem>>
    %dma_start3A_93 = tpu.memref_squeeze %dma_start3A_92 : memref<1x16x2048xf32, #tpu.memory_space<vmem>> -> memref<16x2048xf32, #tpu.memory_space<vmem>>
    %dma_start3A_94 = arith.constant 0 : i32
    %dma_start3A_95 = tpu.memref_slice %arg2[%add3A_88, %dma_start3A_94] : memref<8192x2048xf32, #tpu.memory_space<hbm>> -> memref<16x2048xf32, #tpu.memory_space<hbm>>
    %dma_start3A_96 = arith.constant 0 : i32
    %dma_start3A_97 = arith.constant 0 : i32
    %dma_start3A_98 = tpu.memref_slice %arg4[%dma_start3A_89, %dma_start3A_96, %dma_start3A_97] : memref<3x16x2048xf32, #tpu.memory_space<vmem>> -> memref<1x16x2048xf32, #tpu.memory_space<vmem>>
    %dma_start3A_99 = tpu.memref_squeeze %dma_start3A_98 : memref<1x16x2048xf32, #tpu.memory_space<vmem>> -> memref<16x2048xf32, #tpu.memory_space<vmem>>
    %dma_start3A_100 = arith.constant 0 : i32
    %dma_start3A_101 = tpu.memref_slice %arg2[%add3A_88, %dma_start3A_100] : memref<8192x2048xf32, #tpu.memory_space<hbm>> -> memref<16x2048xf32, #tpu.memory_space<hbm>>
    tpu.enqueue_dma source(%dma_start3A_101 : memref<16x2048xf32, #tpu.memory_space<hbm>>) target(%dma_start3A_99 : memref<16x2048xf32, #tpu.memory_space<vmem>>) target_semaphore(%arg7 : memref<!tpu.dma_semaphore, #tpu.memory_space<semaphore_mem>>)
    %dma_wait3A_102 = arith.constant 2 : i32
    %dma_wait3A_103 = arith.constant 0 : i32
    %dma_wait3A_104 = arith.constant 0 : i32
    %dma_wait3A_105 = tpu.memref_slice %arg4[%dma_wait3A_102, %dma_wait3A_103, %dma_wait3A_104] : memref<3x16x2048xf32, #tpu.memory_space<vmem>> -> memref<1x16x2048xf32, #tpu.memory_space<vmem>>
    %dma_wait3A_106 = tpu.memref_squeeze %dma_wait3A_105 : memref<1x16x2048xf32, #tpu.memory_space<vmem>> -> memref<16x2048xf32, #tpu.memory_space<vmem>>
    %dma_wait3A_107 = arith.constant 0 : i32
    %dma_wait3A_108 = tpu.memref_slice %arg2[%add3A_33, %dma_wait3A_107] : memref<8192x2048xf32, #tpu.memory_space<hbm>> -> memref<16x2048xf32, #tpu.memory_space<hbm>>
    %dma_wait3A_109 = arith.constant 0 : i32
    %dma_wait3A_110 = arith.constant 0 : i32
    %dma_wait3A_111 = tpu.memref_slice %arg4[%dma_wait3A_102, %dma_wait3A_109, %dma_wait3A_110] : memref<3x16x2048xf32, #tpu.memory_space<vmem>> -> memref<1x16x2048xf32, #tpu.memory_space<vmem>>
    %dma_wait3A_112 = tpu.memref_squeeze %dma_wait3A_111 : memref<1x16x2048xf32, #tpu.memory_space<vmem>> -> memref<16x2048xf32, #tpu.memory_space<vmem>>
    %dma_wait3A_113 = arith.constant 0 : i32
    %dma_wait3A_114 = tpu.memref_slice %arg2[%add3A_33, %dma_wait3A_113] : memref<8192x2048xf32, #tpu.memory_space<hbm>> -> memref<16x2048xf32, #tpu.memory_space<hbm>>
    tpu.wait_dma2 semaphore(%arg8 : memref<!tpu.dma_semaphore, #tpu.memory_space<semaphore_mem>>) src(%dma_wait3A_114 : memref<16x2048xf32, #tpu.memory_space<hbm>>) dst(%dma_wait3A_112 : memref<16x2048xf32, #tpu.memory_space<vmem>>)
    %add3A_115 = arith.constant 80 : i32
    %add3A_116 = arith.addi %mul3A_2, %add3A_115 : i32
    %dma_start3A_117 = arith.constant 2 : i32
    %dma_start3A_118 = arith.constant 0 : i32
    %dma_start3A_119 = arith.constant 0 : i32
    %dma_start3A_120 = tpu.memref_slice %arg4[%dma_start3A_117, %dma_start3A_118, %dma_start3A_119] : memref<3x16x2048xf32, #tpu.memory_space<vmem>> -> memref<1x16x2048xf32, #tpu.memory_space<vmem>>
    %dma_start3A_121 = tpu.memref_squeeze %dma_start3A_120 : memref<1x16x2048xf32, #tpu.memory_space<vmem>> -> memref<16x2048xf32, #tpu.memory_space<vmem>>
    %dma_start3A_122 = arith.constant 0 : i32
    %dma_start3A_123 = tpu.memref_slice %arg2[%add3A_116, %dma_start3A_122] : memref<8192x2048xf32, #tpu.memory_space<hbm>> -> memref<16x2048xf32, #tpu.memory_space<hbm>>
    %dma_start3A_124 = arith.constant 0 : i32
    %dma_start3A_125 = arith.constant 0 : i32
    %dma_start3A_126 = tpu.memref_slice %arg4[%dma_start3A_117, %dma_start3A_124, %dma_start3A_125] : memref<3x16x2048xf32, #tpu.memory_space<vmem>> -> memref<1x16x2048xf32, #tpu.memory_space<vmem>>
    %dma_start3A_127 = tpu.memref_squeeze %dma_start3A_126 : memref<1x16x2048xf32, #tpu.memory_space<vmem>> -> memref<16x2048xf32, #tpu.memory_space<vmem>>
    %dma_start3A_128 = arith.constant 0 : i32
    %dma_start3A_129 = tpu.memref_slice %arg2[%add3A_116, %dma_start3A_128] : memref<8192x2048xf32, #tpu.memory_space<hbm>> -> memref<16x2048xf32, #tpu.memory_space<hbm>>
    tpu.enqueue_dma source(%dma_start3A_129 : memref<16x2048xf32, #tpu.memory_space<hbm>>) target(%dma_start3A_127 : memref<16x2048xf32, #tpu.memory_space<vmem>>) target_semaphore(%arg8 : memref<!tpu.dma_semaphore, #tpu.memory_space<semaphore_mem>>)
    %dma_wait3A_130 = arith.constant 0 : i32
    %dma_wait3A_131 = arith.constant 0 : i32
    %dma_wait3A_132 = arith.constant 0 : i32
    %dma_wait3A_133 = tpu.memref_slice %arg4[%dma_wait3A_130, %dma_wait3A_131, %dma_wait3A_132] : memref<3x16x2048xf32, #tpu.memory_space<vmem>> -> memref<1x16x2048xf32, #tpu.memory_space<vmem>>
    %dma_wait3A_134 = tpu.memref_squeeze %dma_wait3A_133 : memref<1x16x2048xf32, #tpu.memory_space<vmem>> -> memref<16x2048xf32, #tpu.memory_space<vmem>>
    %dma_wait3A_135 = arith.constant 0 : i32
    %dma_wait3A_136 = tpu.memref_slice %arg2[%add3A_60, %dma_wait3A_135] : memref<8192x2048xf32, #tpu.memory_space<hbm>> -> memref<16x2048xf32, #tpu.memory_space<hbm>>
    %dma_wait3A_137 = arith.constant 0 : i32
    %dma_wait3A_138 = arith.constant 0 : i32
    %dma_wait3A_139 = tpu.memref_slice %arg4[%dma_wait3A_130, %dma_wait3A_137, %dma_wait3A_138] : memref<3x16x2048xf32, #tpu.memory_space<vmem>> -> memref<1x16x2048xf32, #tpu.memory_space<vmem>>
    %dma_wait3A_140 = tpu.memref_squeeze %dma_wait3A_139 : memref<1x16x2048xf32, #tpu.memory_space<vmem>> -> memref<16x2048xf32, #tpu.memory_space<vmem>>
    %dma_wait3A_141 = arith.constant 0 : i32
    %dma_wait3A_142 = tpu.memref_slice %arg2[%add3A_60, %dma_wait3A_141] : memref<8192x2048xf32, #tpu.memory_space<hbm>> -> memref<16x2048xf32, #tpu.memory_space<hbm>>
    tpu.wait_dma2 semaphore(%arg6 : memref<!tpu.dma_semaphore, #tpu.memory_space<semaphore_mem>>) src(%dma_wait3A_142 : memref<16x2048xf32, #tpu.memory_space<hbm>>) dst(%dma_wait3A_140 : memref<16x2048xf32, #tpu.memory_space<vmem>>)
    %add3A_143 = arith.constant 96 : i32
    %add3A_144 = arith.addi %mul3A_2, %add3A_143 : i32
    %dma_start3A_145 = arith.constant 0 : i32
    %dma_start3A_146 = arith.constant 0 : i32
    %dma_start3A_147 = arith.constant 0 : i32
    %dma_start3A_148 = tpu.memref_slice %arg4[%dma_start3A_145, %dma_start3A_146, %dma_start3A_147] : memref<3x16x2048xf32, #tpu.memory_space<vmem>> -> memref<1x16x2048xf32, #tpu.memory_space<vmem>>
    %dma_start3A_149 = tpu.memref_squeeze %dma_start3A_148 : memref<1x16x2048xf32, #tpu.memory_space<vmem>> -> memref<16x2048xf32, #tpu.memory_space<vmem>>
    %dma_start3A_150 = arith.constant 0 : i32
    %dma_start3A_151 = tpu.memref_slice %arg2[%add3A_144, %dma_start3A_150] : memref<8192x2048xf32, #tpu.memory_space<hbm>> -> memref<16x2048xf32, #tpu.memory_space<hbm>>
    %dma_start3A_152 = arith.constant 0 : i32
    %dma_start3A_153 = arith.constant 0 : i32
    %dma_start3A_154 = tpu.memref_slice %arg4[%dma_start3A_145, %dma_start3A_152, %dma_start3A_153] : memref<3x16x2048xf32, #tpu.memory_space<vmem>> -> memref<1x16x2048xf32, #tpu.memory_space<vmem>>
    %dma_start3A_155 = tpu.memref_squeeze %dma_start3A_154 : memref<1x16x2048xf32, #tpu.memory_space<vmem>> -> memref<16x2048xf32, #tpu.memory_space<vmem>>
    %dma_start3A_156 = arith.constant 0 : i32
    %dma_start3A_157 = tpu.memref_slice %arg2[%add3A_144, %dma_start3A_156] : memref<8192x2048xf32, #tpu.memory_space<hbm>> -> memref<16x2048xf32, #tpu.memory_space<hbm>>
    tpu.enqueue_dma source(%dma_start3A_157 : memref<16x2048xf32, #tpu.memory_space<hbm>>) target(%dma_start3A_155 : memref<16x2048xf32, #tpu.memory_space<vmem>>) target_semaphore(%arg6 : memref<!tpu.dma_semaphore, #tpu.memory_space<semaphore_mem>>)
    %dma_wait3A_158 = arith.constant 1 : i32
    %dma_wait3A_159 = arith.constant 0 : i32
    %dma_wait3A_160 = arith.constant 0 : i32
    %dma_wait3A_161 = tpu.memref_slice %arg4[%dma_wait3A_158, %dma_wait3A_159, %dma_wait3A_160] : memref<3x16x2048xf32, #tpu.memory_space<vmem>> -> memref<1x16x2048xf32, #tpu.memory_space<vmem>>
    %dma_wait3A_162 = tpu.memref_squeeze %dma_wait3A_161 : memref<1x16x2048xf32, #tpu.memory_space<vmem>> -> memref<16x2048xf32, #tpu.memory_space<vmem>>
    %dma_wait3A_163 = arith.constant 0 : i32
    %dma_wait3A_164 = tpu.memref_slice %arg2[%add3A_88, %dma_wait3A_163] : memref<8192x2048xf32, #tpu.memory_space<hbm>> -> memref<16x2048xf32, #tpu.memory_space<hbm>>
    %dma_wait3A_165 = arith.constant 0 : i32
    %dma_wait3A_166 = arith.constant 0 : i32
    %dma_wait3A_167 = tpu.memref_slice %arg4[%dma_wait3A_158, %dma_wait3A_165, %dma_wait3A_166] : memref<3x16x2048xf32, #tpu.memory_space<vmem>> -> memref<1x16x2048xf32, #tpu.memory_space<vmem>>
    %dma_wait3A_168 = tpu.memref_squeeze %dma_wait3A_167 : memref<1x16x2048xf32, #tpu.memory_space<vmem>> -> memref<16x2048xf32, #tpu.memory_space<vmem>>
    %dma_wait3A_169 = arith.constant 0 : i32
    %dma_wait3A_170 = tpu.memref_slice %arg2[%add3A_88, %dma_wait3A_169] : memref<8192x2048xf32, #tpu.memory_space<hbm>> -> memref<16x2048xf32, #tpu.memory_space<hbm>>
    tpu.wait_dma2 semaphore(%arg7 : memref<!tpu.dma_semaphore, #tpu.memory_space<semaphore_mem>>) src(%dma_wait3A_170 : memref<16x2048xf32, #tpu.memory_space<hbm>>) dst(%dma_wait3A_168 : memref<16x2048xf32, #tpu.memory_space<vmem>>)
    %add3A_171 = arith.constant 112 : i32
    %add3A_172 = arith.addi %mul3A_2, %add3A_171 : i32
    %dma_start3A_173 = arith.constant 1 : i32
    %dma_start3A_174 = arith.constant 0 : i32
    %dma_start3A_175 = arith.constant 0 : i32
    %dma_start3A_176 = tpu.memref_slice %arg4[%dma_start3A_173, %dma_start3A_174, %dma_start3A_175] : memref<3x16x2048xf32, #tpu.memory_space<vmem>> -> memref<1x16x2048xf32, #tpu.memory_space<vmem>>
    %dma_start3A_177 = tpu.memref_squeeze %dma_start3A_176 : memref<1x16x2048xf32, #tpu.memory_space<vmem>> -> memref<16x2048xf32, #tpu.memory_space<vmem>>
    %dma_start3A_178 = arith.constant 0 : i32
    %dma_start3A_179 = tpu.memref_slice %arg2[%add3A_172, %dma_start3A_178] : memref<8192x2048xf32, #tpu.memory_space<hbm>> -> memref<16x2048xf32, #tpu.memory_space<hbm>>
    %dma_start3A_180 = arith.constant 0 : i32
    %dma_start3A_181 = arith.constant 0 : i32
    %dma_start3A_182 = tpu.memref_slice %arg4[%dma_start3A_173, %dma_start3A_180, %dma_start3A_181] : memref<3x16x2048xf32, #tpu.memory_space<vmem>> -> memref<1x16x2048xf32, #tpu.memory_space<vmem>>
    %dma_start3A_183 = tpu.memref_squeeze %dma_start3A_182 : memref<1x16x2048xf32, #tpu.memory_space<vmem>> -> memref<16x2048xf32, #tpu.memory_space<vmem>>
    %dma_start3A_184 = arith.constant 0 : i32
    %dma_start3A_185 = tpu.memref_slice %arg2[%add3A_172, %dma_start3A_184] : memref<8192x2048xf32, #tpu.memory_space<hbm>> -> memref<16x2048xf32, #tpu.memory_space<hbm>>
    tpu.enqueue_dma source(%dma_start3A_185 : memref<16x2048xf32, #tpu.memory_space<hbm>>) target(%dma_start3A_183 : memref<16x2048xf32, #tpu.memory_space<vmem>>) target_semaphore(%arg7 : memref<!tpu.dma_semaphore, #tpu.memory_space<semaphore_mem>>)
    %dma_wait3A_186 = arith.constant 2 : i32
    %dma_wait3A_187 = arith.constant 0 : i32
    %dma_wait3A_188 = arith.constant 0 : i32
    %dma_wait3A_189 = tpu.memref_slice %arg4[%dma_wait3A_186, %dma_wait3A_187, %dma_wait3A_188] : memref<3x16x2048xf32, #tpu.memory_space<vmem>> -> memref<1x16x2048xf32, #tpu.memory_space<vmem>>
    %dma_wait3A_190 = tpu.memref_squeeze %dma_wait3A_189 : memref<1x16x2048xf32, #tpu.memory_space<vmem>> -> memref<16x2048xf32, #tpu.memory_space<vmem>>
    %dma_wait3A_191 = arith.constant 0 : i32
    %dma_wait3A_192 = tpu.memref_slice %arg2[%add3A_116, %dma_wait3A_191] : memref<8192x2048xf32, #tpu.memory_space<hbm>> -> memref<16x2048xf32, #tpu.memory_space<hbm>>
    %dma_wait3A_193 = arith.constant 0 : i32
    %dma_wait3A_194 = arith.constant 0 : i32
    %dma_wait3A_195 = tpu.memref_slice %arg4[%dma_wait3A_186, %dma_wait3A_193, %dma_wait3A_194] : memref<3x16x2048xf32, #tpu.memory_space<vmem>> -> memref<1x16x2048xf32, #tpu.memory_space<vmem>>
    %dma_wait3A_196 = tpu.memref_squeeze %dma_wait3A_195 : memref<1x16x2048xf32, #tpu.memory_space<vmem>> -> memref<16x2048xf32, #tpu.memory_space<vmem>>
    %dma_wait3A_197 = arith.constant 0 : i32
    %dma_wait3A_198 = tpu.memref_slice %arg2[%add3A_116, %dma_wait3A_197] : memref<8192x2048xf32, #tpu.memory_space<hbm>> -> memref<16x2048xf32, #tpu.memory_space<hbm>>
    tpu.wait_dma2 semaphore(%arg8 : memref<!tpu.dma_semaphore, #tpu.memory_space<semaphore_mem>>) src(%dma_wait3A_198 : memref<16x2048xf32, #tpu.memory_space<hbm>>) dst(%dma_wait3A_196 : memref<16x2048xf32, #tpu.memory_space<vmem>>)
    %add3A_199 = arith.constant 128 : i32
    %add3A_200 = arith.addi %mul3A_2, %add3A_199 : i32
    %dma_start3A_201 = arith.constant 2 : i32
    %dma_start3A_202 = arith.constant 0 : i32
    %dma_start3A_203 = arith.constant 0 : i32
    %dma_start3A_204 = tpu.memref_slice %arg4[%dma_start3A_201, %dma_start3A_202, %dma_start3A_203] : memref<3x16x2048xf32, #tpu.memory_space<vmem>> -> memref<1x16x2048xf32, #tpu.memory_space<vmem>>
    %dma_start3A_205 = tpu.memref_squeeze %dma_start3A_204 : memref<1x16x2048xf32, #tpu.memory_space<vmem>> -> memref<16x2048xf32, #tpu.memory_space<vmem>>
    %dma_start3A_206 = arith.constant 0 : i32
    %dma_start3A_207 = tpu.memref_slice %arg2[%add3A_200, %dma_start3A_206] : memref<8192x2048xf32, #tpu.memory_space<hbm>> -> memref<16x2048xf32, #tpu.memory_space<hbm>>
    %dma_start3A_208 = arith.constant 0 : i32
    %dma_start3A_209 = arith.constant 0 : i32
    %dma_start3A_210 = tpu.memref_slice %arg4[%dma_start3A_201, %dma_start3A_208, %dma_start3A_209] : memref<3x16x2048xf32, #tpu.memory_space<vmem>> -> memref<1x16x2048xf32, #tpu.memory_space<vmem>>
    %dma_start3A_211 = tpu.memref_squeeze %dma_start3A_210 : memref<1x16x2048xf32, #tpu.memory_space<vmem>> -> memref<16x2048xf32, #tpu.memory_space<vmem>>
    %dma_start3A_212 = arith.constant 0 : i32
    %dma_start3A_213 = tpu.memref_slice %arg2[%add3A_200, %dma_start3A_212] : memref<8192x2048xf32, #tpu.memory_space<hbm>> -> memref<16x2048xf32, #tpu.memory_space<hbm>>
    tpu.enqueue_dma source(%dma_start3A_213 : memref<16x2048xf32, #tpu.memory_space<hbm>>) target(%dma_start3A_211 : memref<16x2048xf32, #tpu.memory_space<vmem>>) target_semaphore(%arg8 : memref<!tpu.dma_semaphore, #tpu.memory_space<semaphore_mem>>)
    %dma_wait3A_214 = arith.constant 0 : i32
    %dma_wait3A_215 = arith.constant 0 : i32
    %dma_wait3A_216 = arith.constant 0 : i32
    %dma_wait3A_217 = tpu.memref_slice %arg4[%dma_wait3A_214, %dma_wait3A_215, %dma_wait3A_216] : memref<3x16x2048xf32, #tpu.memory_space<vmem>> -> memref<1x16x2048xf32, #tpu.memory_space<vmem>>
    %dma_wait3A_218 = tpu.memref_squeeze %dma_wait3A_217 : memref<1x16x2048xf32, #tpu.memory_space<vmem>> -> memref<16x2048xf32, #tpu.memory_space<vmem>>
    %dma_wait3A_219 = arith.constant 0 : i32
    %dma_wait3A_220 = tpu.memref_slice %arg2[%add3A_144, %dma_wait3A_219] : memref<8192x2048xf32, #tpu.memory_space<hbm>> -> memref<16x2048xf32, #tpu.memory_space<hbm>>
    %dma_wait3A_221 = arith.constant 0 : i32
    %dma_wait3A_222 = arith.constant 0 : i32
    %dma_wait3A_223 = tpu.memref_slice %arg4[%dma_wait3A_214, %dma_wait3A_221, %dma_wait3A_222] : memref<3x16x2048xf32, #tpu.memory_space<vmem>> -> memref<1x16x2048xf32, #tpu.memory_space<vmem>>
    %dma_wait3A_224 = tpu.memref_squeeze %dma_wait3A_223 : memref<1x16x2048xf32, #tpu.memory_space<vmem>> -> memref<16x2048xf32, #tpu.memory_space<vmem>>
    %dma_wait3A_225 = arith.constant 0 : i32
    %dma_wait3A_226 = tpu.memref_slice %arg2[%add3A_144, %dma_wait3A_225] : memref<8192x2048xf32, #tpu.memory_space<hbm>> -> memref<16x2048xf32, #tpu.memory_space<hbm>>
    tpu.wait_dma2 semaphore(%arg6 : memref<!tpu.dma_semaphore, #tpu.memory_space<semaphore_mem>>) src(%dma_wait3A_226 : memref<16x2048xf32, #tpu.memory_space<hbm>>) dst(%dma_wait3A_224 : memref<16x2048xf32, #tpu.memory_space<vmem>>)
    %add3A_227 = arith.constant 144 : i32
    %add3A_228 = arith.addi %mul3A_2, %add3A_227 : i32
    %dma_start3A_229 = arith.constant 0 : i32
    %dma_start3A_230 = arith.constant 0 : i32
    %dma_start3A_231 = arith.constant 0 : i32
    %dma_start3A_232 = tpu.memref_slice %arg4[%dma_start3A_229, %dma_start3A_230, %dma_start3A_231] : memref<3x16x2048xf32, #tpu.memory_space<vmem>> -> memref<1x16x2048xf32, #tpu.memory_space<vmem>>
    %dma_start3A_233 = tpu.memref_squeeze %dma_start3A_232 : memref<1x16x2048xf32, #tpu.memory_space<vmem>> -> memref<16x2048xf32, #tpu.memory_space<vmem>>
    %dma_start3A_234 = arith.constant 0 : i32
    %dma_start3A_235 = tpu.memref_slice %arg2[%add3A_228, %dma_start3A_234] : memref<8192x2048xf32, #tpu.memory_space<hbm>> -> memref<16x2048xf32, #tpu.memory_space<hbm>>
    %dma_start3A_236 = arith.constant 0 : i32
    %dma_start3A_237 = arith.constant 0 : i32
    %dma_start3A_238 = tpu.memref_slice %arg4[%dma_start3A_229, %dma_start3A_236, %dma_start3A_237] : memref<3x16x2048xf32, #tpu.memory_space<vmem>> -> memref<1x16x2048xf32, #tpu.memory_space<vmem>>
    %dma_start3A_239 = tpu.memref_squeeze %dma_start3A_238 : memref<1x16x2048xf32, #tpu.memory_space<vmem>> -> memref<16x2048xf32, #tpu.memory_space<vmem>>
    %dma_start3A_240 = arith.constant 0 : i32
    %dma_start3A_241 = tpu.memref_slice %arg2[%add3A_228, %dma_start3A_240] : memref<8192x2048xf32, #tpu.memory_space<hbm>> -> memref<16x2048xf32, #tpu.memory_space<hbm>>
    tpu.enqueue_dma source(%dma_start3A_241 : memref<16x2048xf32, #tpu.memory_space<hbm>>) target(%dma_start3A_239 : memref<16x2048xf32, #tpu.memory_space<vmem>>) target_semaphore(%arg6 : memref<!tpu.dma_semaphore, #tpu.memory_space<semaphore_mem>>)
    %dma_wait3A_242 = arith.constant 1 : i32
    %dma_wait3A_243 = arith.constant 0 : i32
    %dma_wait3A_244 = arith.constant 0 : i32
    %dma_wait3A_245 = tpu.memref_slice %arg4[%dma_wait3A_242, %dma_wait3A_243, %dma_wait3A_244] : memref<3x16x2048xf32, #tpu.memory_space<vmem>> -> memref<1x16x2048xf32, #tpu.memory_space<vmem>>
    %dma_wait3A_246 = tpu.memref_squeeze %dma_wait3A_245 : memref<1x16x2048xf32, #tpu.memory_space<vmem>> -> memref<16x2048xf32, #tpu.memory_space<vmem>>
    %dma_wait3A_247 = arith.constant 0 : i32
    %dma_wait3A_248 = tpu.memref_slice %arg2[%add3A_172, %dma_wait3A_247] : memref<8192x2048xf32, #tpu.memory_space<hbm>> -> memref<16x2048xf32, #tpu.memory_space<hbm>>
    %dma_wait3A_249 = arith.constant 0 : i32
    %dma_wait3A_250 = arith.constant 0 : i32
    %dma_wait3A_251 = tpu.memref_slice %arg4[%dma_wait3A_242, %dma_wait3A_249, %dma_wait3A_250] : memref<3x16x2048xf32, #tpu.memory_space<vmem>> -> memref<1x16x2048xf32, #tpu.memory_space<vmem>>
    %dma_wait3A_252 = tpu.memref_squeeze %dma_wait3A_251 : memref<1x16x2048xf32, #tpu.memory_space<vmem>> -> memref<16x2048xf32, #tpu.memory_space<vmem>>
    %dma_wait3A_253 = arith.constant 0 : i32
    %dma_wait3A_254 = tpu.memref_slice %arg2[%add3A_172, %dma_wait3A_253] : memref<8192x2048xf32, #tpu.memory_space<hbm>> -> memref<16x2048xf32, #tpu.memory_space<hbm>>
    tpu.wait_dma2 semaphore(%arg7 : memref<!tpu.dma_semaphore, #tpu.memory_space<semaphore_mem>>) src(%dma_wait3A_254 : memref<16x2048xf32, #tpu.memory_space<hbm>>) dst(%dma_wait3A_252 : memref<16x2048xf32, #tpu.memory_space<vmem>>)
    %add3A_255 = arith.constant 160 : i32
    %add3A_256 = arith.addi %mul3A_2, %add3A_255 : i32
    %dma_start3A_257 = arith.constant 1 : i32
    %dma_start3A_258 = arith.constant 0 : i32
    %dma_start3A_259 = arith.constant 0 : i32
    %dma_start3A_260 = tpu.memref_slice %arg4[%dma_start3A_257, %dma_start3A_258, %dma_start3A_259] : memref<3x16x2048xf32, #tpu.memory_space<vmem>> -> memref<1x16x2048xf32, #tpu.memory_space<vmem>>
    %dma_start3A_261 = tpu.memref_squeeze %dma_start3A_260 : memref<1x16x2048xf32, #tpu.memory_space<vmem>> -> memref<16x2048xf32, #tpu.memory_space<vmem>>
    %dma_start3A_262 = arith.constant 0 : i32
    %dma_start3A_263 = tpu.memref_slice %arg2[%add3A_256, %dma_start3A_262] : memref<8192x2048xf32, #tpu.memory_space<hbm>> -> memref<16x2048xf32, #tpu.memory_space<hbm>>
    %dma_start3A_264 = arith.constant 0 : i32
    %dma_start3A_265 = arith.constant 0 : i32
    %dma_start3A_266 = tpu.memref_slice %arg4[%dma_start3A_257, %dma_start3A_264, %dma_start3A_265] : memref<3x16x2048xf32, #tpu.memory_space<vmem>> -> memref<1x16x2048xf32, #tpu.memory_space<vmem>>
    %dma_start3A_267 = tpu.memref_squeeze %dma_start3A_266 : memref<1x16x2048xf32, #tpu.memory_space<vmem>> -> memref<16x2048xf32, #tpu.memory_space<vmem>>
    %dma_start3A_268 = arith.constant 0 : i32
    %dma_start3A_269 = tpu.memref_slice %arg2[%add3A_256, %dma_start3A_268] : memref<8192x2048xf32, #tpu.memory_space<hbm>> -> memref<16x2048xf32, #tpu.memory_space<hbm>>
    tpu.enqueue_dma source(%dma_start3A_269 : memref<16x2048xf32, #tpu.memory_space<hbm>>) target(%dma_start3A_267 : memref<16x2048xf32, #tpu.memory_space<vmem>>) target_semaphore(%arg7 : memref<!tpu.dma_semaphore, #tpu.memory_space<semaphore_mem>>)
    %dma_wait3A_270 = arith.constant 2 : i32
    %dma_wait3A_271 = arith.constant 0 : i32
    %dma_wait3A_272 = arith.constant 0 : i32
    %dma_wait3A_273 = tpu.memref_slice %arg4[%dma_wait3A_270, %dma_wait3A_271, %dma_wait3A_272] : memref<3x16x2048xf32, #tpu.memory_space<vmem>> -> memref<1x16x2048xf32, #tpu.memory_space<vmem>>
    %dma_wait3A_274 = tpu.memref_squeeze %dma_wait3A_273 : memref<1x16x2048xf32, #tpu.memory_space<vmem>> -> memref<16x2048xf32, #tpu.memory_space<vmem>>
    %dma_wait3A_275 = arith.constant 0 : i32
    %dma_wait3A_276 = tpu.memref_slice %arg2[%add3A_200, %dma_wait3A_275] : memref<8192x2048xf32, #tpu.memory_space<hbm>> -> memref<16x2048xf32, #tpu.memory_space<hbm>>
    %dma_wait3A_277 = arith.constant 0 : i32
    %dma_wait3A_278 = arith.constant 0 : i32
    %dma_wait3A_279 = tpu.memref_slice %arg4[%dma_wait3A_270, %dma_wait3A_277, %dma_wait3A_278] : memref<3x16x2048xf32, #tpu.memory_space<vmem>> -> memref<1x16x2048xf32, #tpu.memory_space<vmem>>
    %dma_wait3A_280 = tpu.memref_squeeze %dma_wait3A_279 : memref<1x16x2048xf32, #tpu.memory_space<vmem>> -> memref<16x2048xf32, #tpu.memory_space<vmem>>
    %dma_wait3A_281 = arith.constant 0 : i32
    %dma_wait3A_282 = tpu.memref_slice %arg2[%add3A_200, %dma_wait3A_281] : memref<8192x2048xf32, #tpu.memory_space<hbm>> -> memref<16x2048xf32, #tpu.memory_space<hbm>>
    tpu.wait_dma2 semaphore(%arg8 : memref<!tpu.dma_semaphore, #tpu.memory_space<semaphore_mem>>) src(%dma_wait3A_282 : memref<16x2048xf32, #tpu.memory_space<hbm>>) dst(%dma_wait3A_280 : memref<16x2048xf32, #tpu.memory_space<vmem>>)
    %add3A_283 = arith.constant 176 : i32
    %add3A_284 = arith.addi %mul3A_2, %add3A_283 : i32
    %dma_start3A_285 = arith.constant 2 : i32
    %dma_start3A_286 = arith.constant 0 : i32
    %dma_start3A_287 = arith.constant 0 : i32
    %dma_start3A_288 = tpu.memref_slice %arg4[%dma_start3A_285, %dma_start3A_286, %dma_start3A_287] : memref<3x16x2048xf32, #tpu.memory_space<vmem>> -> memref<1x16x2048xf32, #tpu.memory_space<vmem>>
    %dma_start3A_289 = tpu.memref_squeeze %dma_start3A_288 : memref<1x16x2048xf32, #tpu.memory_space<vmem>> -> memref<16x2048xf32, #tpu.memory_space<vmem>>
    %dma_start3A_290 = arith.constant 0 : i32
    %dma_start3A_291 = tpu.memref_slice %arg2[%add3A_284, %dma_start3A_290] : memref<8192x2048xf32, #tpu.memory_space<hbm>> -> memref<16x2048xf32, #tpu.memory_space<hbm>>
    %dma_start3A_292 = arith.constant 0 : i32
    %dma_start3A_293 = arith.constant 0 : i32
    %dma_start3A_294 = tpu.memref_slice %arg4[%dma_start3A_285, %dma_start3A_292, %dma_start3A_293] : memref<3x16x2048xf32, #tpu.memory_space<vmem>> -> memref<1x16x2048xf32, #tpu.memory_space<vmem>>
    %dma_start3A_295 = tpu.memref_squeeze %dma_start3A_294 : memref<1x16x2048xf32, #tpu.memory_space<vmem>> -> memref<16x2048xf32, #tpu.memory_space<vmem>>
    %dma_start3A_296 = arith.constant 0 : i32
    %dma_start3A_297 = tpu.memref_slice %arg2[%add3A_284, %dma_start3A_296] : memref<8192x2048xf32, #tpu.memory_space<hbm>> -> memref<16x2048xf32, #tpu.memory_space<hbm>>
    tpu.enqueue_dma source(%dma_start3A_297 : memref<16x2048xf32, #tpu.memory_space<hbm>>) target(%dma_start3A_295 : memref<16x2048xf32, #tpu.memory_space<vmem>>) target_semaphore(%arg8 : memref<!tpu.dma_semaphore, #tpu.memory_space<semaphore_mem>>)
    %dma_wait3A_298 = arith.constant 0 : i32
    %dma_wait3A_299 = arith.constant 0 : i32
    %dma_wait3A_300 = arith.constant 0 : i32
    %dma_wait3A_301 = tpu.memref_slice %arg4[%dma_wait3A_298, %dma_wait3A_299, %dma_wait3A_300] : memref<3x16x2048xf32, #tpu.memory_space<vmem>> -> memref<1x16x2048xf32, #tpu.memory_space<vmem>>
    %dma_wait3A_302 = tpu.memref_squeeze %dma_wait3A_301 : memref<1x16x2048xf32, #tpu.memory_space<vmem>> -> memref<16x2048xf32, #tpu.memory_space<vmem>>
    %dma_wait3A_303 = arith.constant 0 : i32
    %dma_wait3A_304 = tpu.memref_slice %arg2[%add3A_228, %dma_wait3A_303] : memref<8192x2048xf32, #tpu.memory_space<hbm>> -> memref<16x2048xf32, #tpu.memory_space<hbm>>
    %dma_wait3A_305 = arith.constant 0 : i32
    %dma_wait3A_306 = arith.constant 0 : i32
    %dma_wait3A_307 = tpu.memref_slice %arg4[%dma_wait3A_298, %dma_wait3A_305, %dma_wait3A_306] : memref<3x16x2048xf32, #tpu.memory_space<vmem>> -> memref<1x16x2048xf32, #tpu.memory_space<vmem>>
    %dma_wait3A_308 = tpu.memref_squeeze %dma_wait3A_307 : memref<1x16x2048xf32, #tpu.memory_space<vmem>> -> memref<16x2048xf32, #tpu.memory_space<vmem>>
    %dma_wait3A_309 = arith.constant 0 : i32
    %dma_wait3A_310 = tpu.memref_slice %arg2[%add3A_228, %dma_wait3A_309] : memref<8192x2048xf32, #tpu.memory_space<hbm>> -> memref<16x2048xf32, #tpu.memory_space<hbm>>
    tpu.wait_dma2 semaphore(%arg6 : memref<!tpu.dma_semaphore, #tpu.memory_space<semaphore_mem>>) src(%dma_wait3A_310 : memref<16x2048xf32, #tpu.memory_space<hbm>>) dst(%dma_wait3A_308 : memref<16x2048xf32, #tpu.memory_space<vmem>>)
    %add3A_311 = arith.constant 192 : i32
    %add3A_312 = arith.addi %mul3A_2, %add3A_311 : i32
    %dma_start3A_313 = arith.constant 0 : i32
    %dma_start3A_314 = arith.constant 0 : i32
    %dma_start3A_315 = arith.constant 0 : i32
    %dma_start3A_316 = tpu.memref_slice %arg4[%dma_start3A_313, %dma_start3A_314, %dma_start3A_315] : memref<3x16x2048xf32, #tpu.memory_space<vmem>> -> memref<1x16x2048xf32, #tpu.memory_space<vmem>>
    %dma_start3A_317 = tpu.memref_squeeze %dma_start3A_316 : memref<1x16x2048xf32, #tpu.memory_space<vmem>> -> memref<16x2048xf32, #tpu.memory_space<vmem>>
    %dma_start3A_318 = arith.constant 0 : i32
    %dma_start3A_319 = tpu.memref_slice %arg2[%add3A_312, %dma_start3A_318] : memref<8192x2048xf32, #tpu.memory_space<hbm>> -> memref<16x2048xf32, #tpu.memory_space<hbm>>
    %dma_start3A_320 = arith.constant 0 : i32
    %dma_start3A_321 = arith.constant 0 : i32
    %dma_start3A_322 = tpu.memref_slice %arg4[%dma_start3A_313, %dma_start3A_320, %dma_start3A_321] : memref<3x16x2048xf32, #tpu.memory_space<vmem>> -> memref<1x16x2048xf32, #tpu.memory_space<vmem>>
    %dma_start3A_323 = tpu.memref_squeeze %dma_start3A_322 : memref<1x16x2048xf32, #tpu.memory_space<vmem>> -> memref<16x2048xf32, #tpu.memory_space<vmem>>
    %dma_start3A_324 = arith.constant 0 : i32
    %dma_start3A_325 = tpu.memref_slice %arg2[%add3A_312, %dma_start3A_324] : memref<8192x2048xf32, #tpu.memory_space<hbm>> -> memref<16x2048xf32, #tpu.memory_space<hbm>>
    tpu.enqueue_dma source(%dma_start3A_325 : memref<16x2048xf32, #tpu.memory_space<hbm>>) target(%dma_start3A_323 : memref<16x2048xf32, #tpu.memory_space<vmem>>) target_semaphore(%arg6 : memref<!tpu.dma_semaphore, #tpu.memory_space<semaphore_mem>>)
    %dma_wait3A_326 = arith.constant 1 : i32
    %dma_wait3A_327 = arith.constant 0 : i32
    %dma_wait3A_328 = arith.constant 0 : i32
    %dma_wait3A_329 = tpu.memref_slice %arg4[%dma_wait3A_326, %dma_wait3A_327, %dma_wait3A_328] : memref<3x16x2048xf32, #tpu.memory_space<vmem>> -> memref<1x16x2048xf32, #tpu.memory_space<vmem>>
    %dma_wait3A_330 = tpu.memref_squeeze %dma_wait3A_329 : memref<1x16x2048xf32, #tpu.memory_space<vmem>> -> memref<16x2048xf32, #tpu.memory_space<vmem>>
    %dma_wait3A_331 = arith.constant 0 : i32
    %dma_wait3A_332 = tpu.memref_slice %arg2[%add3A_256, %dma_wait3A_331] : memref<8192x2048xf32, #tpu.memory_space<hbm>> -> memref<16x2048xf32, #tpu.memory_space<hbm>>
    %dma_wait3A_333 = arith.constant 0 : i32
    %dma_wait3A_334 = arith.constant 0 : i32
    %dma_wait3A_335 = tpu.memref_slice %arg4[%dma_wait3A_326, %dma_wait3A_333, %dma_wait3A_334] : memref<3x16x2048xf32, #tpu.memory_space<vmem>> -> memref<1x16x2048xf32, #tpu.memory_space<vmem>>
    %dma_wait3A_336 = tpu.memref_squeeze %dma_wait3A_335 : memref<1x16x2048xf32, #tpu.memory_space<vmem>> -> memref<16x2048xf32, #tpu.memory_space<vmem>>
    %dma_wait3A_337 = arith.constant 0 : i32
    %dma_wait3A_338 = tpu.memref_slice %arg2[%add3A_256, %dma_wait3A_337] : memref<8192x2048xf32, #tpu.memory_space<hbm>> -> memref<16x2048xf32, #tpu.memory_space<hbm>>
    tpu.wait_dma2 semaphore(%arg7 : memref<!tpu.dma_semaphore, #tpu.memory_space<semaphore_mem>>) src(%dma_wait3A_338 : memref<16x2048xf32, #tpu.memory_space<hbm>>) dst(%dma_wait3A_336 : memref<16x2048xf32, #tpu.memory_space<vmem>>)
    %add3A_339 = arith.constant 208 : i32
    %add3A_340 = arith.addi %mul3A_2, %add3A_339 : i32
    %dma_start3A_341 = arith.constant 1 : i32
    %dma_start3A_342 = arith.constant 0 : i32
    %dma_start3A_343 = arith.constant 0 : i32
    %dma_start3A_344 = tpu.memref_slice %arg4[%dma_start3A_341, %dma_start3A_342, %dma_start3A_343] : memref<3x16x2048xf32, #tpu.memory_space<vmem>> -> memref<1x16x2048xf32, #tpu.memory_space<vmem>>
    %dma_start3A_345 = tpu.memref_squeeze %dma_start3A_344 : memref<1x16x2048xf32, #tpu.memory_space<vmem>> -> memref<16x2048xf32, #tpu.memory_space<vmem>>
    %dma_start3A_346 = arith.constant 0 : i32
    %dma_start3A_347 = tpu.memref_slice %arg2[%add3A_340, %dma_start3A_346] : memref<8192x2048xf32, #tpu.memory_space<hbm>> -> memref<16x2048xf32, #tpu.memory_space<hbm>>
    %dma_start3A_348 = arith.constant 0 : i32
    %dma_start3A_349 = arith.constant 0 : i32
    %dma_start3A_350 = tpu.memref_slice %arg4[%dma_start3A_341, %dma_start3A_348, %dma_start3A_349] : memref<3x16x2048xf32, #tpu.memory_space<vmem>> -> memref<1x16x2048xf32, #tpu.memory_space<vmem>>
    %dma_start3A_351 = tpu.memref_squeeze %dma_start3A_350 : memref<1x16x2048xf32, #tpu.memory_space<vmem>> -> memref<16x2048xf32, #tpu.memory_space<vmem>>
    %dma_start3A_352 = arith.constant 0 : i32
    %dma_start3A_353 = tpu.memref_slice %arg2[%add3A_340, %dma_start3A_352] : memref<8192x2048xf32, #tpu.memory_space<hbm>> -> memref<16x2048xf32, #tpu.memory_space<hbm>>
    tpu.enqueue_dma source(%dma_start3A_353 : memref<16x2048xf32, #tpu.memory_space<hbm>>) target(%dma_start3A_351 : memref<16x2048xf32, #tpu.memory_space<vmem>>) target_semaphore(%arg7 : memref<!tpu.dma_semaphore, #tpu.memory_space<semaphore_mem>>)
    %dma_wait3A_354 = arith.constant 2 : i32
    %dma_wait3A_355 = arith.constant 0 : i32
    %dma_wait3A_356 = arith.constant 0 : i32
    %dma_wait3A_357 = tpu.memref_slice %arg4[%dma_wait3A_354, %dma_wait3A_355, %dma_wait3A_356] : memref<3x16x2048xf32, #tpu.memory_space<vmem>> -> memref<1x16x2048xf32, #tpu.memory_space<vmem>>
    %dma_wait3A_358 = tpu.memref_squeeze %dma_wait3A_357 : memref<1x16x2048xf32, #tpu.memory_space<vmem>> -> memref<16x2048xf32, #tpu.memory_space<vmem>>
    %dma_wait3A_359 = arith.constant 0 : i32
    %dma_wait3A_360 = tpu.memref_slice %arg2[%add3A_284, %dma_wait3A_359] : memref<8192x2048xf32, #tpu.memory_space<hbm>> -> memref<16x2048xf32, #tpu.memory_space<hbm>>
    %dma_wait3A_361 = arith.constant 0 : i32
    %dma_wait3A_362 = arith.constant 0 : i32
    %dma_wait3A_363 = tpu.memref_slice %arg4[%dma_wait3A_354, %dma_wait3A_361, %dma_wait3A_362] : memref<3x16x2048xf32, #tpu.memory_space<vmem>> -> memref<1x16x2048xf32, #tpu.memory_space<vmem>>
    %dma_wait3A_364 = tpu.memref_squeeze %dma_wait3A_363 : memref<1x16x2048xf32, #tpu.memory_space<vmem>> -> memref<16x2048xf32, #tpu.memory_space<vmem>>
    %dma_wait3A_365 = arith.constant 0 : i32
    %dma_wait3A_366 = tpu.memref_slice %arg2[%add3A_284, %dma_wait3A_365] : memref<8192x2048xf32, #tpu.memory_space<hbm>> -> memref<16x2048xf32, #tpu.memory_space<hbm>>
    tpu.wait_dma2 semaphore(%arg8 : memref<!tpu.dma_semaphore, #tpu.memory_space<semaphore_mem>>) src(%dma_wait3A_366 : memref<16x2048xf32, #tpu.memory_space<hbm>>) dst(%dma_wait3A_364 : memref<16x2048xf32, #tpu.memory_space<vmem>>)
    %add3A_367 = arith.constant 224 : i32
    %add3A_368 = arith.addi %mul3A_2, %add3A_367 : i32
    %dma_start3A_369 = arith.constant 2 : i32
    %dma_start3A_370 = arith.constant 0 : i32
    %dma_start3A_371 = arith.constant 0 : i32
    %dma_start3A_372 = tpu.memref_slice %arg4[%dma_start3A_369, %dma_start3A_370, %dma_start3A_371] : memref<3x16x2048xf32, #tpu.memory_space<vmem>> -> memref<1x16x2048xf32, #tpu.memory_space<vmem>>
    %dma_start3A_373 = tpu.memref_squeeze %dma_start3A_372 : memref<1x16x2048xf32, #tpu.memory_space<vmem>> -> memref<16x2048xf32, #tpu.memory_space<vmem>>
    %dma_start3A_374 = arith.constant 0 : i32
    %dma_start3A_375 = tpu.memref_slice %arg2[%add3A_368, %dma_start3A_374] : memref<8192x2048xf32, #tpu.memory_space<hbm>> -> memref<16x2048xf32, #tpu.memory_space<hbm>>
    %dma_start3A_376 = arith.constant 0 : i32
    %dma_start3A_377 = arith.constant 0 : i32
    %dma_start3A_378 = tpu.memref_slice %arg4[%dma_start3A_369, %dma_start3A_376, %dma_start3A_377] : memref<3x16x2048xf32, #tpu.memory_space<vmem>> -> memref<1x16x2048xf32, #tpu.memory_space<vmem>>
    %dma_start3A_379 = tpu.memref_squeeze %dma_start3A_378 : memref<1x16x2048xf32, #tpu.memory_space<vmem>> -> memref<16x2048xf32, #tpu.memory_space<vmem>>
    %dma_start3A_380 = arith.constant 0 : i32
    %dma_start3A_381 = tpu.memref_slice %arg2[%add3A_368, %dma_start3A_380] : memref<8192x2048xf32, #tpu.memory_space<hbm>> -> memref<16x2048xf32, #tpu.memory_space<hbm>>
    tpu.enqueue_dma source(%dma_start3A_381 : memref<16x2048xf32, #tpu.memory_space<hbm>>) target(%dma_start3A_379 : memref<16x2048xf32, #tpu.memory_space<vmem>>) target_semaphore(%arg8 : memref<!tpu.dma_semaphore, #tpu.memory_space<semaphore_mem>>)
    %dma_wait3A_382 = arith.constant 0 : i32
    %dma_wait3A_383 = arith.constant 0 : i32
    %dma_wait3A_384 = arith.constant 0 : i32
    %dma_wait3A_385 = tpu.memref_slice %arg4[%dma_wait3A_382, %dma_wait3A_383, %dma_wait3A_384] : memref<3x16x2048xf32, #tpu.memory_space<vmem>> -> memref<1x16x2048xf32, #tpu.memory_space<vmem>>
    %dma_wait3A_386 = tpu.memref_squeeze %dma_wait3A_385 : memref<1x16x2048xf32, #tpu.memory_space<vmem>> -> memref<16x2048xf32, #tpu.memory_space<vmem>>
    %dma_wait3A_387 = arith.constant 0 : i32
    %dma_wait3A_388 = tpu.memref_slice %arg2[%add3A_312, %dma_wait3A_387] : memref<8192x2048xf32, #tpu.memory_space<hbm>> -> memref<16x2048xf32, #tpu.memory_space<hbm>>
    %dma_wait3A_389 = arith.constant 0 : i32
    %dma_wait3A_390 = arith.constant 0 : i32
    %dma_wait3A_391 = tpu.memref_slice %arg4[%dma_wait3A_382, %dma_wait3A_389, %dma_wait3A_390] : memref<3x16x2048xf32, #tpu.memory_space<vmem>> -> memref<1x16x2048xf32, #tpu.memory_space<vmem>>
    %dma_wait3A_392 = tpu.memref_squeeze %dma_wait3A_391 : memref<1x16x2048xf32, #tpu.memory_space<vmem>> -> memref<16x2048xf32, #tpu.memory_space<vmem>>
    %dma_wait3A_393 = arith.constant 0 : i32
    %dma_wait3A_394 = tpu.memref_slice %arg2[%add3A_312, %dma_wait3A_393] : memref<8192x2048xf32, #tpu.memory_space<hbm>> -> memref<16x2048xf32, #tpu.memory_space<hbm>>
    tpu.wait_dma2 semaphore(%arg6 : memref<!tpu.dma_semaphore, #tpu.memory_space<semaphore_mem>>) src(%dma_wait3A_394 : memref<16x2048xf32, #tpu.memory_space<hbm>>) dst(%dma_wait3A_392 : memref<16x2048xf32, #tpu.memory_space<vmem>>)
    %add3A_395 = arith.constant 240 : i32
    %add3A_396 = arith.addi %mul3A_2, %add3A_395 : i32
    %dma_start3A_397 = arith.constant 0 : i32
    %dma_start3A_398 = arith.constant 0 : i32
    %dma_start3A_399 = arith.constant 0 : i32
    %dma_start3A_400 = tpu.memref_slice %arg4[%dma_start3A_397, %dma_start3A_398, %dma_start3A_399] : memref<3x16x2048xf32, #tpu.memory_space<vmem>> -> memref<1x16x2048xf32, #tpu.memory_space<vmem>>
    %dma_start3A_401 = tpu.memref_squeeze %dma_start3A_400 : memref<1x16x2048xf32, #tpu.memory_space<vmem>> -> memref<16x2048xf32, #tpu.memory_space<vmem>>
    %dma_start3A_402 = arith.constant 0 : i32
    %dma_start3A_403 = tpu.memref_slice %arg2[%add3A_396, %dma_start3A_402] : memref<8192x2048xf32, #tpu.memory_space<hbm>> -> memref<16x2048xf32, #tpu.memory_space<hbm>>
    %dma_start3A_404 = arith.constant 0 : i32
    %dma_start3A_405 = arith.constant 0 : i32
    %dma_start3A_406 = tpu.memref_slice %arg4[%dma_start3A_397, %dma_start3A_404, %dma_start3A_405] : memref<3x16x2048xf32, #tpu.memory_space<vmem>> -> memref<1x16x2048xf32, #tpu.memory_space<vmem>>
    %dma_start3A_407 = tpu.memref_squeeze %dma_start3A_406 : memref<1x16x2048xf32, #tpu.memory_space<vmem>> -> memref<16x2048xf32, #tpu.memory_space<vmem>>
    %dma_start3A_408 = arith.constant 0 : i32
    %dma_start3A_409 = tpu.memref_slice %arg2[%add3A_396, %dma_start3A_408] : memref<8192x2048xf32, #tpu.memory_space<hbm>> -> memref<16x2048xf32, #tpu.memory_space<hbm>>
    tpu.enqueue_dma source(%dma_start3A_409 : memref<16x2048xf32, #tpu.memory_space<hbm>>) target(%dma_start3A_407 : memref<16x2048xf32, #tpu.memory_space<vmem>>) target_semaphore(%arg6 : memref<!tpu.dma_semaphore, #tpu.memory_space<semaphore_mem>>)
    %dma_wait3A_410 = arith.constant 1 : i32
    %dma_wait3A_411 = arith.constant 0 : i32
    %dma_wait3A_412 = arith.constant 0 : i32
    %dma_wait3A_413 = tpu.memref_slice %arg4[%dma_wait3A_410, %dma_wait3A_411, %dma_wait3A_412] : memref<3x16x2048xf32, #tpu.memory_space<vmem>> -> memref<1x16x2048xf32, #tpu.memory_space<vmem>>
    %dma_wait3A_414 = tpu.memref_squeeze %dma_wait3A_413 : memref<1x16x2048xf32, #tpu.memory_space<vmem>> -> memref<16x2048xf32, #tpu.memory_space<vmem>>
    %dma_wait3A_415 = arith.constant 0 : i32
    %dma_wait3A_416 = tpu.memref_slice %arg2[%add3A_340, %dma_wait3A_415] : memref<8192x2048xf32, #tpu.memory_space<hbm>> -> memref<16x2048xf32, #tpu.memory_space<hbm>>
    %dma_wait3A_417 = arith.constant 0 : i32
    %dma_wait3A_418 = arith.constant 0 : i32
    %dma_wait3A_419 = tpu.memref_slice %arg4[%dma_wait3A_410, %dma_wait3A_417, %dma_wait3A_418] : memref<3x16x2048xf32, #tpu.memory_space<vmem>> -> memref<1x16x2048xf32, #tpu.memory_space<vmem>>
    %dma_wait3A_420 = tpu.memref_squeeze %dma_wait3A_419 : memref<1x16x2048xf32, #tpu.memory_space<vmem>> -> memref<16x2048xf32, #tpu.memory_space<vmem>>
    %dma_wait3A_421 = arith.constant 0 : i32
    %dma_wait3A_422 = tpu.memref_slice %arg2[%add3A_340, %dma_wait3A_421] : memref<8192x2048xf32, #tpu.memory_space<hbm>> -> memref<16x2048xf32, #tpu.memory_space<hbm>>
    tpu.wait_dma2 semaphore(%arg7 : memref<!tpu.dma_semaphore, #tpu.memory_space<semaphore_mem>>) src(%dma_wait3A_422 : memref<16x2048xf32, #tpu.memory_space<hbm>>) dst(%dma_wait3A_420 : memref<16x2048xf32, #tpu.memory_space<vmem>>)
    %dma_wait3A_423 = arith.constant 2 : i32
    %dma_wait3A_424 = arith.constant 0 : i32
    %dma_wait3A_425 = arith.constant 0 : i32
    %dma_wait3A_426 = tpu.memref_slice %arg4[%dma_wait3A_423, %dma_wait3A_424, %dma_wait3A_425] : memref<3x16x2048xf32, #tpu.memory_space<vmem>> -> memref<1x16x2048xf32, #tpu.memory_space<vmem>>
    %dma_wait3A_427 = tpu.memref_squeeze %dma_wait3A_426 : memref<1x16x2048xf32, #tpu.memory_space<vmem>> -> memref<16x2048xf32, #tpu.memory_space<vmem>>
    %dma_wait3A_428 = arith.constant 0 : i32
    %dma_wait3A_429 = tpu.memref_slice %arg2[%add3A_368, %dma_wait3A_428] : memref<8192x2048xf32, #tpu.memory_space<hbm>> -> memref<16x2048xf32, #tpu.memory_space<hbm>>
    %dma_wait3A_430 = arith.constant 0 : i32
    %dma_wait3A_431 = arith.constant 0 : i32
    %dma_wait3A_432 = tpu.memref_slice %arg4[%dma_wait3A_423, %dma_wait3A_430, %dma_wait3A_431] : memref<3x16x2048xf32, #tpu.memory_space<vmem>> -> memref<1x16x2048xf32, #tpu.memory_space<vmem>>
    %dma_wait3A_433 = tpu.memref_squeeze %dma_wait3A_432 : memref<1x16x2048xf32, #tpu.memory_space<vmem>> -> memref<16x2048xf32, #tpu.memory_space<vmem>>
    %dma_wait3A_434 = arith.constant 0 : i32
    %dma_wait3A_435 = tpu.memref_slice %arg2[%add3A_368, %dma_wait3A_434] : memref<8192x2048xf32, #tpu.memory_space<hbm>> -> memref<16x2048xf32, #tpu.memory_space<hbm>>
    tpu.wait_dma2 semaphore(%arg8 : memref<!tpu.dma_semaphore, #tpu.memory_space<semaphore_mem>>) src(%dma_wait3A_435 : memref<16x2048xf32, #tpu.memory_space<hbm>>) dst(%dma_wait3A_433 : memref<16x2048xf32, #tpu.memory_space<vmem>>)
    %dma_wait3A_436 = arith.constant 0 : i32
    %dma_wait3A_437 = arith.constant 0 : i32
    %dma_wait3A_438 = arith.constant 0 : i32
    %dma_wait3A_439 = tpu.memref_slice %arg4[%dma_wait3A_436, %dma_wait3A_437, %dma_wait3A_438] : memref<3x16x2048xf32, #tpu.memory_space<vmem>> -> memref<1x16x2048xf32, #tpu.memory_space<vmem>>
    %dma_wait3A_440 = tpu.memref_squeeze %dma_wait3A_439 : memref<1x16x2048xf32, #tpu.memory_space<vmem>> -> memref<16x2048xf32, #tpu.memory_space<vmem>>
    %dma_wait3A_441 = arith.constant 0 : i32
    %dma_wait3A_442 = tpu.memref_slice %arg2[%add3A_396, %dma_wait3A_441] : memref<8192x2048xf32, #tpu.memory_space<hbm>> -> memref<16x2048xf32, #tpu.memory_space<hbm>>
    %dma_wait3A_443 = arith.constant 0 : i32
    %dma_wait3A_444 = arith.constant 0 : i32
    %dma_wait3A_445 = tpu.memref_slice %arg4[%dma_wait3A_436, %dma_wait3A_443, %dma_wait3A_444] : memref<3x16x2048xf32, #tpu.memory_space<vmem>> -> memref<1x16x2048xf32, #tpu.memory_space<vmem>>
    %dma_wait3A_446 = tpu.memref_squeeze %dma_wait3A_445 : memref<1x16x2048xf32, #tpu.memory_space<vmem>> -> memref<16x2048xf32, #tpu.memory_space<vmem>>
    %dma_wait3A_447 = arith.constant 0 : i32
    %dma_wait3A_448 = tpu.memref_slice %arg2[%add3A_396, %dma_wait3A_447] : memref<8192x2048xf32, #tpu.memory_space<hbm>> -> memref<16x2048xf32, #tpu.memory_space<hbm>>
    tpu.wait_dma2 semaphore(%arg6 : memref<!tpu.dma_semaphore, #tpu.memory_space<semaphore_mem>>) src(%dma_wait3A_448 : memref<16x2048xf32, #tpu.memory_space<hbm>>) dst(%dma_wait3A_446 : memref<16x2048xf32, #tpu.memory_space<vmem>>)
    %get3A = arith.constant 0 : i32
    %get3A_449 = arith.constant 0 : i32
    %get3A_450 = arith.index_cast %get3A : i32 to index
    %get3A_451 = arith.index_cast %get3A_449 : i32 to index
    %get3A_452 = arith.constant 0 : index
    %get3A_453 = tpu.vector_load %arg4[%get3A_450, %get3A_451, %get3A_452] {strides = array<i32>} : memref<3x16x2048xf32, #tpu.memory_space<vmem>>, vector<1x1x16xf32>,
    %get3A_454 = vector.shape_cast %get3A_453 : vector<1x1x16xf32> to vector<16xf32>
    %swap3A = arith.constant 0 : index
    %swap3A_455 = tpu.vector_load %arg5[%swap3A] {strides = array<i32>} : memref<16xf32, #tpu.memory_space<vmem>>, vector<16xf32>,
    %swap3A_456 = vector.shape_cast %swap3A_455 : vector<16xf32> to vector<16xf32>
    %swap3A_457 = vector.shape_cast %get3A_454 : vector<16xf32> to vector<16xf32>
    tpu.vector_store %arg5[%swap3A], %swap3A_457 {strides = array<i32>} : memref<16xf32, #tpu.memory_space<vmem>>, vector<16xf32>,
    "tpu.region"() ({
      %run_scoped3A = tpu.sem_alloc : memref<!tpu.dma_semaphore, #tpu.memory_space<semaphore_mem>>
      %dma_start3A_458 = arith.constant 0 : i32
      %dma_start3A_459 = tpu.memref_slice %arg3[%add3A, %dma_start3A_458] : memref<32x16xf32, #tpu.memory_space<hbm>> -> memref<1x16xf32, #tpu.memory_space<hbm>>
      %dma_start3A_460 = tpu.memref_squeeze %dma_start3A_459 : memref<1x16xf32, #tpu.memory_space<hbm>> -> memref<16xf32, #tpu.memory_space<hbm>>
      %dma_start3A_461 = arith.constant 0 : i32
      %dma_start3A_462 = tpu.memref_slice %arg3[%add3A, %dma_start3A_461] : memref<32x16xf32, #tpu.memory_space<hbm>> -> memref<1x16xf32, #tpu.memory_space<hbm>>
      %dma_start3A_463 = tpu.memref_squeeze %dma_start3A_462 : memref<1x16xf32, #tpu.memory_space<hbm>> -> memref<16xf32, #tpu.memory_space<hbm>>
      tpu.enqueue_dma source(%arg5 : memref<16xf32, #tpu.memory_space<vmem>>) target(%dma_start3A_463 : memref<16xf32, #tpu.memory_space<hbm>>) target_semaphore(%run_scoped3A : memref<!tpu.dma_semaphore, #tpu.memory_space<semaphore_mem>>)
      %dma_wait3A_464 = arith.constant 0 : i32
      %dma_wait3A_465 = tpu.memref_slice %arg3[%add3A, %dma_wait3A_464] : memref<32x16xf32, #tpu.memory_space<hbm>> -> memref<1x16xf32, #tpu.memory_space<hbm>>
      %dma_wait3A_466 = tpu.memref_squeeze %dma_wait3A_465 : memref<1x16xf32, #tpu.memory_space<hbm>> -> memref<16xf32, #tpu.memory_space<hbm>>
      %dma_wait3A_467 = arith.constant 0 : i32
      %dma_wait3A_468 = tpu.memref_slice %arg3[%add3A, %dma_wait3A_467] : memref<32x16xf32, #tpu.memory_space<hbm>> -> memref<1x16xf32, #tpu.memory_space<hbm>>
      %dma_wait3A_469 = tpu.memref_squeeze %dma_wait3A_468 : memref<1x16xf32, #tpu.memory_space<hbm>> -> memref<16xf32, #tpu.memory_space<hbm>>
      tpu.wait_dma2 semaphore(%run_scoped3A : memref<!tpu.dma_semaphore, #tpu.memory_space<semaphore_mem>>) src(%arg5 : memref<16xf32, #tpu.memory_space<vmem>>) dst(%dma_wait3A_469 : memref<16xf32, #tpu.memory_space<hbm>>)
      tpu.yield
    }) : () -> ()
    return
  }
}

module attributes {stable_mosaic.version = 14 : i64} {
  func.func @_router_body(%arg0: i32, %arg1: memref<1024x2048xf32, #tpu.memory_space<vmem>>, %arg2: memref<1x2048xf32, #tpu.memory_space<vmem>>, %arg3: memref<128x128xf32, #tpu.memory_space<vmem>>, %arg4: memref<128x128xf32, #tpu.memory_space<vmem>>, %arg5: memref<1x1xf32, #tpu.memory_space<vmem>>) attributes {dimension_semantics = [#tpu.dimension_semantics<arbitrary>], iteration_bounds = array<i64: 16>, scalar_prefetch = 0 : i64, scratch_operands = 0 : i64, tpu.core_type = #tpu.core_type<tc>, window_params = [{transform_indices = @transform_0, window_bounds = array<i64: 1024, 2048>}, {pipeline_mode = #tpu.pipeline_mode<synchronous>, transform_indices = @transform_1, window_bounds = array<i64: 1, 2048>}, {pipeline_mode = #tpu.pipeline_mode<synchronous>, transform_indices = @transform_2, window_bounds = array<i64: 128, 128>}, {pipeline_mode = #tpu.pipeline_mode<synchronous>, transform_indices = @transform_3, window_bounds = array<i64: 128, 128>}, {pipeline_mode = #tpu.pipeline_mode<synchronous>, transform_indices = @transform_4, window_bounds = array<i64: 1, 1>}]} {
    %get3A = arith.constant 0 : index
    %get3A_0 = arith.constant 0 : index
    %get3A_1 = vector.load %arg1[%get3A, %get3A_0] : memref<1024x2048xf32, #tpu.memory_space<vmem>>, vector<1024x2048xf32>
    %convert_element_type3A = arith.truncf %get3A_1 : vector<1024x2048xf32> to vector<1024x2048xbf16>
    %convert_element_type3A_2 = arith.extf %convert_element_type3A : vector<1024x2048xbf16> to vector<1024x2048xf32>
    %get3A_3 = arith.constant 0 : index
    %get3A_4 = arith.constant 0 : index
    %get3A_5 = vector.load %arg2[%get3A_3, %get3A_4] : memref<1x2048xf32, #tpu.memory_space<vmem>>, vector<1x2048xf32>
    %convert_element_type3A_6 = arith.truncf %get3A_5 : vector<1x2048xf32> to vector<1x2048xbf16>
    %convert_element_type3A_7 = arith.extf %convert_element_type3A_6 : vector<1x2048xbf16> to vector<1x2048xf32>
    %dot_general3A = arith.constant dense<0.000000e+00> : vector<1024x1xf32>
    %dot_general3A_8 = tpu.matmul %convert_element_type3A_2, %convert_element_type3A_7, %dot_general3A {dimension_numbers = #tpu.dot_dimension_numbers<[1], [1], [0], [0], [0, 0, 1, 0], [], []>, transpose_lhs_hint = false} : vector<1024x2048xf32>, vector<1x2048xf32>, vector<1024x1xf32> -> vector<1024x1xf32>
    %squeeze3A = vector.shape_cast %dot_general3A_8 : vector<1024x1xf32> to vector<1024xf32>
    %logistic3A = arith.negf %squeeze3A : vector<1024xf32>
    %logistic3A_9 = math.exp %logistic3A : vector<1024xf32>
    %logistic3A_10 = arith.constant 1.000000e+00 : f32
    %logistic3A_11 = vector.broadcast %logistic3A_10 : f32 to vector<1024xf32>
    %logistic3A_12 = arith.addf %logistic3A_11, %logistic3A_9 : vector<1024xf32>
    %logistic3A_13 = arith.divf %logistic3A_11, %logistic3A_12 : vector<1024xf32>
    %reshape3A = vector.shape_cast %logistic3A_13 : vector<1024xf32> to vector<8x128xf32>
    %mul3A = arith.constant 8 : i32
    %mul3A_14 = arith.muli %arg0, %mul3A : i32
    %swap3A = arith.index_cast %mul3A_14 : i32 to index
    %swap3A_15 = arith.constant 0 : index
    %swap3A_16 = vector.load %arg3[%swap3A, %swap3A_15] : memref<128x128xf32, #tpu.memory_space<vmem>>, vector<8x128xf32>
    tpu.vector_store %arg3[%swap3A, %swap3A_15], %reshape3A {strides = array<i32>} : memref<128x128xf32, #tpu.memory_space<vmem>>, vector<8x128xf32>,
    %eq3A = arith.constant 15 : i32
    %eq3A_17 = arith.cmpi eq, %arg0, %eq3A : i32
    %convert_element_type3A_18 = arith.extui %eq3A_17 : i1 to i32
    %cond3A = arith.constant 0 : i32
    %cond3A_19 = arith.cmpi ne, %convert_element_type3A_18, %cond3A : i32
    scf.if %cond3A_19 {
      %get3A_20 = arith.constant 0 : index
      %get3A_21 = arith.constant 0 : index
      %get3A_22 = vector.load %arg3[%get3A_20, %get3A_21] : memref<128x128xf32, #tpu.memory_space<vmem>>, vector<128x128xf32>
      %bitcast_convert_type3A = tpu.bitcast %get3A_22 : vector<128x128xf32> -> vector<128x128xi32>
      %scan3A = arith.constant 0 : i32
      %scan3A_23 = arith.constant 0 : i32
      %scan3A_24 = arith.constant 31 : i32
      %scan3A_25 = arith.addi %scan3A_23, %scan3A_24 : i32
      %scan3A_26 = arith.constant 1 : i32
      %scan3A_27 = scf.for %scan3A_95 = %scan3A_23 to %scan3A_25 step %scan3A_26 iter_args(%scan3A_96 = %scan3A) -> (i32)  : i32 {
        %sub3A_97 = arith.constant 30 : i32
        %sub3A_98 = arith.subi %sub3A_97, %scan3A_95 : i32
        %shift_left3A = arith.constant 1 : i32
        %shift_left3A_99 = arith.shli %shift_left3A, %sub3A_98 : i32
        %or3A = arith.ori %scan3A_96, %shift_left3A_99 : i32
        %lt3A_100 = vector.broadcast %or3A : i32 to vector<128x128xi32>
        %lt3A_101 = arith.cmpi slt, %bitcast_convert_type3A, %lt3A_100 : vector<128x128xi32>
        %convert_element_type3A_102 = arith.extui %lt3A_101 : vector<128x128xi1> to vector<128x128xi32>
        %reduce_sum3A_103 = vector.shape_cast %convert_element_type3A_102 : vector<128x128xi32> to vector<1x128x128xi32>
        %reduce_sum3A_104 = arith.constant dense<0> : vector<1xi32>
        %reduce_sum3A_105 = vector.multi_reduction <add>, %reduce_sum3A_103, %reduce_sum3A_104 [1, 2] : vector<1x128x128xi32> to vector<1xi32>
        %reduce_sum3A_106 = vector.shape_cast %reduce_sum3A_105 : vector<1xi32> to vector<1x1x1xi32>
        %reduce_sum3A_107 = vector.extract %reduce_sum3A_106[0, 0, 0] : i32 from vector<1x1x1xi32>
        %ge3A_108 = arith.constant 13107 : i32
        %ge3A_109 = arith.cmpi sge, %reduce_sum3A_107, %ge3A_108 : i32
        %select_n3A_110 = arith.select %ge3A_109, %scan3A_96, %or3A : i32
        scf.yield %select_n3A_110 : i32
      }
      %scan3A_28 = arith.constant 31 : i32
      %ge3A = vector.broadcast %scan3A_27 : i32 to vector<128x128xi32>
      %ge3A_29 = arith.cmpi sge, %bitcast_convert_type3A, %ge3A : vector<128x128xi32>
      %convert_element_type3A_30 = arith.extui %ge3A_29 : vector<128x128xi1> to vector<128x128xi32>
      %convert_element_type3A_31 = arith.sitofp %convert_element_type3A_30 : vector<128x128xi32> to vector<128x128xf32>
      %swap3A_32 = arith.constant 0 : index
      %swap3A_33 = arith.constant 0 : index
      %swap3A_34 = vector.load %arg4[%swap3A_32, %swap3A_33] : memref<128x128xf32, #tpu.memory_space<vmem>>, vector<128x128xf32>
      tpu.vector_store %arg4[%swap3A_32, %swap3A_33], %convert_element_type3A_31 {strides = array<i32>} : memref<128x128xf32, #tpu.memory_space<vmem>>, vector<128x128xf32>,
      %reduce_sum3A = vector.shape_cast %convert_element_type3A_31 : vector<128x128xf32> to vector<1x128x128xf32>
      %reduce_sum3A_35 = arith.constant dense<0.000000e+00> : vector<1xf32>
      %reduce_sum3A_36 = vector.multi_reduction <add>, %reduce_sum3A, %reduce_sum3A_35 [1, 2] : vector<1x128x128xf32> to vector<1xf32>
      %reduce_sum3A_37 = vector.shape_cast %reduce_sum3A_36 : vector<1xf32> to vector<1x1x1xf32>
      %reduce_sum3A_38 = vector.extract %reduce_sum3A_37[0, 0, 0] : f32 from vector<1x1x1xf32>
      %mul3A_39 = arith.constant 6.10351563E-5 : f32
      %mul3A_40 = arith.mulf %reduce_sum3A_38, %mul3A_39 : f32
      %slice3A = vector.extract_strided_slice %convert_element_type3A_31 {offsets = [0, 1], sizes = [128, 127], strides = [1, 1]} : vector<128x128xf32> to vector<128x127xf32>
      %slice3A_41 = vector.extract_strided_slice %convert_element_type3A_31 {offsets = [0, 0], sizes = [128, 127], strides = [1, 1]} : vector<128x128xf32> to vector<128x127xf32>
      %sub3A = arith.subf %slice3A, %slice3A_41 : vector<128x127xf32>
      %abs3A = math.absf %sub3A : vector<128x127xf32>
      %reduce_sum3A_42 = vector.shape_cast %abs3A : vector<128x127xf32> to vector<1x128x127xf32>
      %reduce_sum3A_43 = arith.constant dense<0.000000e+00> : vector<1xf32>
      %reduce_sum3A_44 = vector.multi_reduction <add>, %reduce_sum3A_42, %reduce_sum3A_43 [1, 2] : vector<1x128x127xf32> to vector<1xf32>
      %reduce_sum3A_45 = vector.shape_cast %reduce_sum3A_44 : vector<1xf32> to vector<1x1x1xf32>
      %reduce_sum3A_46 = vector.extract %reduce_sum3A_45[0, 0, 0] : f32 from vector<1x1x1xf32>
      %slice3A_47 = vector.extract_strided_slice %convert_element_type3A_31 {offsets = [1, 0], sizes = [127, 1], strides = [1, 1]} : vector<128x128xf32> to vector<127x1xf32>
      %slice3A_48 = vector.extract_strided_slice %convert_element_type3A_31 {offsets = [0, 127], sizes = [127, 1], strides = [1, 1]} : vector<128x128xf32> to vector<127x1xf32>
      %iota3A = tpu.iota {dimensions = array<i32: 0>} : vector<127x1xi32>
      %jit3A = arith.constant 32 : i32
      %eq3A_49 = arith.constant 0 : i32
      %eq3A_50 = arith.cmpi eq, %jit3A, %eq3A_49 : i32
      %jit3A_51 = arith.constant 1 : i32
      %select_n3A = arith.select %eq3A_50, %jit3A_51, %jit3A : i32
      %rem3A = vector.broadcast %select_n3A : i32 to vector<127x1xi32>
      %rem3A_52 = arith.remsi %iota3A, %rem3A : vector<127x1xi32>
      %ne3A = arith.constant 0 : i32
      %ne3A_53 = vector.broadcast %ne3A : i32 to vector<127x1xi32>
      %ne3A_54 = arith.cmpi ne, %rem3A_52, %ne3A_53 : vector<127x1xi32>
      %lt3A = arith.constant 0 : i32
      %lt3A_55 = vector.broadcast %lt3A : i32 to vector<127x1xi32>
      %lt3A_56 = arith.cmpi slt, %rem3A_52, %lt3A_55 : vector<127x1xi32>
      %lt3A_57 = arith.constant 0 : i32
      %lt3A_58 = arith.cmpi slt, %select_n3A, %lt3A_57 : i32
      %ne3A_59 = vector.broadcast %lt3A_58 : i1 to vector<127x1xi1>
      %ne3A_60 = vector.broadcast %ne3A_59 : vector<127x1xi1> to vector<127x1xi1>
      %ne3A_61 = arith.xori %lt3A_56, %ne3A_60 : vector<127x1xi1>
      %and3A = arith.andi %ne3A_61, %ne3A_54 : vector<127x1xi1>
      %add3A = vector.broadcast %select_n3A : i32 to vector<127x1xi32>
      %add3A_62 = arith.addi %rem3A_52, %add3A : vector<127x1xi32>
      %select_n3A_63 = arith.select %and3A, %add3A_62, %rem3A_52 : vector<127x1xi1>, vector<127x1xi32>
      %ne3A_64 = arith.constant 31 : i32
      %ne3A_65 = vector.broadcast %ne3A_64 : i32 to vector<127x1xi32>
      %ne3A_66 = arith.cmpi ne, %select_n3A_63, %ne3A_65 : vector<127x1xi32>
      %convert_element_type3A_67 = arith.extui %ne3A_66 : vector<127x1xi1> to vector<127x1xi32>
      %convert_element_type3A_68 = arith.sitofp %convert_element_type3A_67 : vector<127x1xi32> to vector<127x1xf32>
      %sub3A_69 = arith.subf %slice3A_47, %slice3A_48 : vector<127x1xf32>
      %abs3A_70 = math.absf %sub3A_69 : vector<127x1xf32>
      %mul3A_71 = arith.mulf %abs3A_70, %convert_element_type3A_68 : vector<127x1xf32>
      %reduce_sum3A_72 = vector.shape_cast %mul3A_71 : vector<127x1xf32> to vector<1x127x1xf32>
      %reduce_sum3A_73 = arith.constant dense<0.000000e+00> : vector<1xf32>
      %reduce_sum3A_74 = vector.multi_reduction <add>, %reduce_sum3A_72, %reduce_sum3A_73 [1, 2] : vector<1x127x1xf32> to vector<1xf32>
      %reduce_sum3A_75 = vector.shape_cast %reduce_sum3A_74 : vector<1xf32> to vector<1x1x1xf32>
      %reduce_sum3A_76 = vector.extract %reduce_sum3A_75[0, 0, 0] : f32 from vector<1x1x1xf32>
      %add3A_77 = arith.addf %reduce_sum3A_46, %reduce_sum3A_76 : f32
      %mul3A_78 = arith.constant 6.10500647E-5 : f32
      %mul3A_79 = arith.mulf %add3A_77, %mul3A_78 : f32
      %sub3A_80 = arith.constant 1.000000e-01 : f32
      %sub3A_81 = arith.subf %sub3A_80, %mul3A_40 : f32
      %max3A = arith.constant 0.000000e+00 : f32
      %max3A_82 = arith.maximumf %sub3A_81, %max3A : f32
      %sub3A_83 = arith.constant 0.899999976 : f32
      %sub3A_84 = arith.subf %mul3A_40, %sub3A_83 : f32
      %max3A_85 = arith.constant 0.000000e+00 : f32
      %max3A_86 = arith.maximumf %sub3A_84, %max3A_85 : f32
      %add3A_87 = arith.addf %mul3A_79, %max3A_82 : f32
      %add3A_88 = arith.addf %add3A_87, %max3A_86 : f32
      %mul3A_89 = arith.constant 0.00999999977 : f32
      %mul3A_90 = arith.mulf %add3A_88, %mul3A_89 : f32
      %reshape3A_91 = vector.broadcast %mul3A_90 : f32 to vector<1x1xf32>
      %swap3A_92 = arith.constant 0 : index
      %swap3A_93 = arith.constant 0 : index
      %swap3A_94 = vector.load %arg5[%swap3A_92, %swap3A_93] : memref<1x1xf32, #tpu.memory_space<vmem>>, vector<1x1xf32>
      tpu.vector_store %arg5[%swap3A_92, %swap3A_93], %reshape3A_91 {strides = array<i32>} : memref<1x1xf32, #tpu.memory_space<vmem>>, vector<1x1xf32>,
    } else {
    }
    return
  }
  func.func @transform_0(%arg0: i32) -> (i32, i32) {
    %c0_i32 = arith.constant 0 : i32
    %c0_i32_0 = arith.constant 0 : i32
    return %arg0, %c0_i32 : i32, i32
  }
  func.func @transform_1(%arg0: i32) -> (i32, i32) {
    %c0_i32 = arith.constant 0 : i32
    %c0_i32_0 = arith.constant 0 : i32
    %c0_i32_1 = arith.constant 0 : i32
    return %c0_i32, %c0_i32_0 : i32, i32
  }
  func.func @transform_2(%arg0: i32) -> (i32, i32) {
    %c0_i32 = arith.constant 0 : i32
    %c0_i32_0 = arith.constant 0 : i32
    %c0_i32_1 = arith.constant 0 : i32
    return %c0_i32, %c0_i32_0 : i32, i32
  }
  func.func @transform_3(%arg0: i32) -> (i32, i32) {
    %c0_i32 = arith.constant 0 : i32
    %c0_i32_0 = arith.constant 0 : i32
    %c0_i32_1 = arith.constant 0 : i32
    return %c0_i32, %c0_i32_0 : i32, i32
  }
  func.func @transform_4(%arg0: i32) -> (i32, i32) {
    %c0_i32 = arith.constant 0 : i32
    %c0_i32_0 = arith.constant 0 : i32
    %c0_i32_1 = arith.constant 0 : i32
    return %c0_i32, %c0_i32_0 : i32, i32
  }
}

</mosaic_0001>

<sc_bundles>
// kernel: kernel.4.cloned.1.call-start
scs
__scs_entry_jumppad:
0x0: {  	(pc) =	sbr.rel $0x88, $3  }
0x1: {  	(tag) =	ssettag $0x0;
	lr =	simm.s32 $0x1  }
0x2: {  	[smem:$0x3F9F] =	sst lr;
	_ =	strace $0xD0000000  }
0x3: {  	_ = 	snop  }
0x4: {  	_ = 	snop  }
0x5: {  	_ = 	snop  }
0x6: {  	_ = 	snop  }
0x7: {  	_ = 	snop  }
__scs_overlays_trampoline_lowered:
0x8: {  	[smem:$0x3FAE] =	sst s0  }
0x9: {  	[smem:$0x3FAF] =	sst s1  }
0xa: {  	[smem:$0x3FB0] =	sst s2  }
0xb: {  	[smem:$0x3FB1] =	sst s3  }
0xc: {  	[smem:$0x3FB2] =	sst s4  }
0xd: {  	[smem:$0x3FB3] =	sst s5  }
0xe: {  	[smem:$0x3FB4] =	sst s6  }
0xf: {  	[smem:$0x3FB5] =	sst s7  }
0x10: {  	[smem:$0x3FB6] =	sst s8  }
0x11: {  	[smem:$0x3FB7] =	sst s9;
	s0 =	simm.s32 @!p0 $0x0  }
0x12: {  	s1 =	sld [smem:$0x3F9D];
	s0 =	simm.s32 @p0 $0x1  }
0x13: {  	[smem:$0x3FB8] =	sst s0;
	s0 =	simm.s32 @!p1 $0x0  }
0x14: {  	s2 =	sld [smem:$0x3F9C];
	s0 =	simm.s32 @p1 $0x1  }
0x15: {  	[smem:$0x3FB9] =	sst s0;
	s0 =	simm.s32 @!p2 $0x0  }
0x16: {  	s3 =	sld [smem:$0x3FDB];
	s0 =	simm.s32 @p2 $0x1  }
0x17: {  	s4 =	simm.s32 $0x1BF5;
	[smem:$0x3FBB] =	sst s0  }
0x18: {  	s0 =	sld [smem:$0x3F9E];
	_ =	swait.ge [sflag:s4], $0x0  }
0x19: {  	s7 =	sld [smem:$0x3F9F]  }
0x1a: {  	s8 =	sadd.s32 $0xFFFFE003, lr  }
0x1b: {  	s9 =	sadd.s32 $0xFFFFFEF7, lr;
	s5 =	simm.s32 $0xFFFFFFFF;
	p2 =	slt.u32 s8, $0xFFFFF086  }
0x1c: {  	p1 =	slt.u32 s9, $0xF7A;
	s5 =	simm.s32 @!p2 $0x0  }
0x1d: {  	s5 =	simm.s32 @p1 $0x1;
	p0 =	seq.s32 s7, s2  }
0x1e: {  	s7 =	smul.u32 @!p0 $0xF7A, s2;
	p2 =	seq.s32 @!p0 s5, $0x0  }
0x1f: {  	s9 =	smul.u32 $0xF7A, s1;
	s8 =	simm.s32 @!p0 $0x1BF5;
	p2 =	por !p2, p0  }
0x20: {  	[sflag:s8] =	ssyncset.s32 @!p0 $0xFFFFF086;
	s6 =	sadd.s32 @!p0 s3, s7;
	s7 =	simm.s32 @!p0 $0x108  }
0x21: {  	s3 =	sadd.s32 s3, s9;
	s6 =	sadd.s32 @!p0 $0x88, s6;
	s7 =	simm.s32 @p2 $0x1082  }
0x22: {  	[simem:s7], [sflag:s8] =	dma.local @!p0 [hbm:s6], $0xF7A  }
0x23: {  	s9 =	sor.u32 $0xD0000000, s2;
	s6 =	simm.s32 $0x108;
	_ =	swait.ge @!p0 [sflag:s8], $0x0  }
0x24: {  	s3 =	sadd.s32 $0x88, s3;
	s6 =	simm.s32 @!p1 $0x1082;
	[sflag:s4] =	ssyncset.s32 $0xFFFFF086  }
0x25: {  	[simem:s6], [sflag:s4] =	dma.local [hbm:s3], $0xF7A  }
0x26: {  	[smem:$0x3F9F] =	sst s1;
	(tag) =	ssettag s2;
	_ =	strace s9  }
0x27: {  	s1 =	sld [smem:$0x3FAF]  }
0x28: {  	s2 =	sld [smem:$0x3FB0]  }
0x29: {  	s4 =	sld [smem:$0x3FB2]  }
0x2a: {  	p0 =	seq.s32 s5, $0x0;
	s5 =	sld [smem:$0x3FB3]  }
0x2b: {  	s6 =	sld [smem:$0x3FB4]  }
0x2c: {  	s7 =	sld [smem:$0x3FB5]  }
0x2d: {  	s3 =	simm.s32 $0x108;
	s8 =	sld [smem:$0x3FB6]  }
0x2e: {  	s3 =	simm.s32 @!p0 $0x1082;
	s9 =	sld [smem:$0x3FB7]  }
0x2f: {  	lr =	sadd.s32 s0, s3;
	s0 =	sld [smem:$0x3FAE]  }
0x30: {  	s3 =	sld [smem:$0x3FB1]  }
0x31: {  	[smem:$0x3FBA] =	sst s10  }
0x32: {  	s10 =	sld [smem:$0x3FB8];
	_ =	sdelay $0x3  }
0x33: {  	p0 =	seq.s32 s10, $0x1;
	s10 =	sld [smem:$0x3FBA];
	_ =	sdelay $0x3  }
0x34: {  	[smem:$0x3FBA] =	sst s10  }
0x35: {  	s10 =	sld [smem:$0x3FB9];
	_ =	sdelay $0x3  }
0x36: {  	p1 =	seq.s32 s10, $0x1;
	s10 =	sld [smem:$0x3FBA];
	_ =	sdelay $0x3  }
0x37: {  	[smem:$0x3FBA] =	sst s10  }
0x38: {  	s10 =	sld [smem:$0x3FBB]  }
0x39: {  	_ = 	snop;
	(pc) =	sbr.ind lr, $3  }
0x3a: {  	_ = 	snop  }
0x3b: {  	_ = 	snop  }
0x3c: {  	p2 =	seq.s32 s10, $0x1;
	s10 =	sld [smem:$0x3FBA]  }
0x3d: {  	_ =	shalt  }
0x3e: {  	_ =	shalt  }
0x3f: {  	_ =	shalt  }
0x40: {  	_ =	shalt  }
0x41: {  	_ =	shalt  }
0x42: {  	_ =	shalt  }
0x43: {  	_ =	shalt  }
0x44: {  	_ =	shalt  }
0x45: {  	_ =	shalt  }
0x46: {  	_ =	shalt  }
0x47: {  	_ =	shalt  }
0x48: {  	_ =	shalt  }
0x49: {  	_ =	shalt  }
0x4a: {  	_ =	shalt  }
0x4b: {  	_ =	shalt  }
0x4c: {  	_ =	shalt  }
0x4d: {  	_ =	shalt  }
0x4e: {  	_ =	shalt  }
0x4f: {  	_ =	shalt  }
0x50: {  	_ =	shalt  }
0x51: {  	_ =	shalt  }
0x52: {  	_ =	shalt  }
0x53: {  	_ =	shalt  }
0x54: {  	_ =	shalt  }
0x55: {  	_ =	shalt  }
0x56: {  	_ =	shalt  }
0x57: {  	_ =	shalt  }
0x58: {  	_ =	shalt  }
0x59: {  	_ =	shalt  }
0x5a: {  	_ =	shalt  }
0x5b: {  	_ =	shalt  }
0x5c: {  	_ =	shalt  }
0x5d: {  	_ =	shalt  }
0x5e: {  	_ =	shalt  }
0x5f: {  	_ =	shalt  }
0x60: {  	_ =	shalt  }
0x61: {  	_ =	shalt  }
0x62: {  	_ =	shalt  }
0x63: {  	_ =	shalt  }
0x64: {  	_ =	shalt  }
0x65: {  	_ =	shalt  }
0x66: {  	_ =	shalt  }
0x67: {  	_ =	shalt  }
0x68: {  	_ =	shalt  }
0x69: {  	_ =	shalt  }
0x6a: {  	_ =	shalt  }
0x6b: {  	_ =	shalt  }
0x6c: {  	_ =	shalt  }
0x6d: {  	_ =	shalt  }
0x6e: {  	_ =	shalt  }
0x6f: {  	_ =	shalt  }
0x70: {  	_ =	shalt  }
0x71: {  	_ =	shalt  }
0x72: {  	_ =	shalt  }
0x73: {  	_ =	shalt  }
0x74: {  	_ =	shalt  }
0x75: {  	_ =	shalt  }
0x76: {  	_ =	shalt  }
0x77: {  	_ =	shalt  }
0x78: {  	_ =	shalt  }
0x79: {  	_ =	shalt  }
0x7a: {  	_ =	shalt  }
0x7b: {  	_ =	shalt  }
0x7c: {  	_ =	shalt  }
0x7d: {  	_ =	shalt  }
0x7e: {  	_ =	shalt  }
0x7f: {  	_ =	shalt  }
0x80: {  	_ =	shalt  }
0x81: {  	_ =	shalt  }
0x82: {  	_ =	shalt  }
0x83: {  	_ =	shalt  }
0x84: {  	_ =	shalt  }
0x85: {  	_ =	shalt  }
0x86: {  	_ =	shalt  }
0x87: {  	_ =	shalt  }
.Lfunc_end0:
.L_simem_size_0:
called_computation_lowered:
.L_overlay_start_0:
0x88: {  	s2 =	sld [smem:$0x3FD9]  }
0x89: {  	s3 =	sld [smem:$0x3FFE];
	_ =	sdelay $0x1  }
0x8a: {  	s1 =	srdreg.scid  }
0x8b: {  	s0 =	sand.u32 $0x1, s1  }
0x8c: {  	s16 =	sshll.u32 s0, $0xA;
	s2 =	sadd.s32 s3, s2  }
0x8d: {  	s2 =	sadd.s32 s2, s16  }
0x8e: {  	[smem:$0x3FC6] =	sst s2  }
0x8f: {  	_ = 	snop  }
0x90: {  	(tm) =	ssettm $0x1  }
0x91: {  	s17 =	sld [smem:$0x3FFB];
	_ =	sdelay $0x3  }
0x92: {  	_ =	strace s17  }
0x93: {  	s2 =	sld [smem:$0x3FFC];
	_ =	sdelay $0x3  }
0x94: {  	_ =	strace s2  }
0x95: {  	s2 =	sld [smem:$0x3FFD];
	_ =	sdelay $0x3  }
0x96: {  	_ =	strace s2  }
0x97: {  	_ =	strace $0x8FFFFFFF  }
0x98: {  	s18 =	sld [smem:$0x3FDB];
	_ =	sdelay $0x1  }
0x99: {  	s19 =	simm.s32 $_scs_section_size  }
0x9a: {  	s4 =	simm.s32 $_size__tile_overlayer_lowered;
	s5 =	simm.s32 $_tile_overlayer_lowered  }
0x9b: {  	s22 =	simm.s32 $0x1BFF;
	s21 =	sshll.u32 s5, $0x1;
	s2 =	sadd.s32 s19, s18  }
0x9c: {  	s6 =	simm.s32 $0x0;
	s20 =	sshll.u32 s4, $0x1;
	s4 =	sadd.s32 s21, s2  }
0x9d: {  	[timem:s6], [sflag:s22] =	dma.local [hbm:s4], s20  }
0x9e: {  	_ =	swait.ge [sflag:s22], s20  }
0x9f: {  	s3 =	ssub.s32 $0x0, s20;
	[sflag:s22] =	ssyncset.done $0x0  }
0xa0: {  	[sflag:s22] =	ssyncadd.s32 s3;
	_ =	sdelay $0x1  }
0xa1: {  	s23 =	simm.s32 $0x1B8B  }
0xa2: {  	_ =	swait.ge [sflag:s23], $0x1  }
0xa3: {  	[sflag:s23] =	ssyncset.done $0x0  }
0xa4: {  	s25 =	simm.s32 $0x1B8E;
	s24 =	sld [smem:$0x3FFE];
	[sflag:s23] =	ssyncadd.s32 $0xFFFFFFFF  }
0xa5: {  	s26 =	simm.s32 $execute0_lowered;
	[smem:$0x3FD2] =	sst s25  }
0xa6: {  	s4 =	sshll.u32 s26, $0x1;
	_ =	strace $0x80000046;
	[dreg:$0x1] =	wrdreg $0xFFFFFFFF  }
0xa7: {  	s28 =	simm.s32 $_size_execute0_lowered;
	s2 =	sadd.s32 s2, s4;
	[dreg:$0x0] =	wrdreg $0x0  }
0xa8: {  	s4 =	sshll.u32 s28, $0x1;
	[dreg:$0x2] =	wrdreg s2  }
0xa9: {  	[dreg:$0x3] =	wrdreg s4  }
0xaa: {  	[dreg:$0x4] =	wrdreg $0xC0  }
0xab: {  	_ =	task [dreg:s6], $0x5FFFF  }
0xac: {  	[dreg:$0x1] =	wrdreg $0xFFFFFFFF  }
0xad: {  	[dreg:$0x0] =	wrdreg $0x60  }
0xae: {  	[dreg:$0x2] =	wrdreg s24  }
0xaf: {  	[dreg:$0x3] =	wrdreg $0x9  }
0xb0: {  	_ =	task.clear_ibuf [dreg:s6], $0x4FFFF;
	_ =	strace $0x90000046  }
0xb1: {  	s29 =	simm.s32 $0x9;
	_ =	strace $0x80000048  }
0xb2: {  	_ =	swait.ge [sflag:s29], $0x1  }
0xb3: {  	[sflag:s29] =	ssyncadd.s32 $0xFFFFFFFF  }
0xb4: {  	_ =	strace $0x90000048  }
0xb5: {  	_ =	sfence  }
0xb6: {  	s30 =	sld [smem:$0x0];
	_ =	sdelay $0x2  }
0xb7: {  	s31 =	sshll.u32 s1, $0xD;
	s1 =	sshrl.u32 s1, $0x2  }
0xb8: {  	s3 =	sand.u32 $0x4000, s31;
	s1 =	sadd.s32 s1, s30  }
0xb9: {  	s0 =	sor.u32 s3, s0;
	s1 =	sshll.u32 s1, $0x11  }
0xba: {  	s0 =	sor.u32 s1, s0  }
0xbb: {  	s0 =	sadd.s32 $0x8F2B, s0  }
0xbc: {  	[sflag:s0] =	ssyncadd.remote.s32 $0x1  }
0xbd: {  	_ =	sfence.sel $0xFFFF  }
0xbe: {  	[dreg:$0x0] =	wrdreg $0xFFFFFFFF;
	(pc) =	sbr.abs _section_cstart, $3  }
0xbf: {  	[dreg:$0x1] =	wrdreg $0xFFFFFFFF  }
0xc0: {  	_ =	task.clear_ibuf [dreg:s6], $0x2FFFF;
	_ =	strace $0x9FFFFFFF  }
0xc1: {  	(tm) =	ssettm $0x7FFFFFFF  }
tec
execute0_lowered:
.L_overlay_start_1:
0x0: {  	(tag) =	ssettag $0x1  }
0x1: {  	s1 =	srdreg.scid;
	s0 =	stileid.u32  }
0x2: {  	s24 =	sand.u32 $0x1, s1;
	s30 =	sshll.u32 s0, $0x1  }
0x3: {  	s26 =	sor.u32 s24, s30  }
0x4: {  	s25 =	rddreg [dreg:$0x0];
	s2 =	simm.s32 $0x0;
	s3 =	sshll.u32 s26, $0x10  }
0x5: {  	[smem:$0x7FF] =	sst s2;
	s23 =	sadd.s32 s3, s25  }
0x6: {  	s1 =	rddreg [dreg:$0x1];
	_ =	strace $0x80000047;
	s3 =	sadd.s32 $0x800, s23  }
0x7: {  	[tilespmem:s2], [sflag:$0x1] =	stream.linear.gather [hbm4b:s3+s2], $0x8000, $0x38;
	[tilespmem:$0x18080] =	vst v63  }
0x8: {  	s5 =	simm.s32 $0x8000;
	s4 =	sadd.s32 $0x1800, s23  }
0x9: {  	[tilespmem:s5], [sflag:$0x2] =	stream.linear.gather [hbm4b:s4+s2], $0x8000, $0x38;
	[tilespmem:$0x18080] =	vst v63  }
0xa: {  	s7 =	simm.s32 $0x10000;
	s8 =	simm.s32 $0x1;
	s6 =	sadd.s32 $0x2800, s23  }
0xb: {  	[tilespmem:s7], [sflag:$0x3] =	stream.linear.gather [hbm4b:s6+s2], $0x8000, $0x38;
	[tilespmem:$0x18080] =	vst v63  }
0xc: {  	_ =	swait.ge [sflag:s8], $0x8000  }
0xd: {  	[sflag:s8] =	ssyncset.done $0x0  }
0xe: {  	s10 =	simm.s32 $0x2;
	s9 =	sadd.s32 $0x3800, s23;
	[sflag:s8] =	ssyncadd.s32 $0xFFFF8000  }
0xf: {  	[tilespmem:s2], [sflag:$0x1] =	stream.linear.gather [hbm4b:s9+s2], $0x8000, $0x38;
	[tilespmem:$0x18080] =	vst v63  }
0x10: {  	_ =	swait.ge [sflag:s10], $0x8000  }
0x11: {  	[sflag:s10] =	ssyncset.done $0x0  }
0x12: {  	s12 =	simm.s32 $0x3;
	s11 =	sadd.s32 $0x4800, s23;
	[sflag:s10] =	ssyncadd.s32 $0xFFFF8000  }
0x13: {  	[tilespmem:s5], [sflag:$0x2] =	stream.linear.gather [hbm4b:s11+s2], $0x8000, $0x38;
	[tilespmem:$0x18080] =	vst v63  }
0x14: {  	_ =	swait.ge [sflag:s12], $0x8000  }
0x15: {  	[sflag:s12] =	ssyncset.done $0x0  }
0x16: {  	s13 =	sadd.s32 $0x5800, s23;
	[sflag:s12] =	ssyncadd.s32 $0xFFFF8000  }
0x17: {  	[tilespmem:s7], [sflag:$0x3] =	stream.linear.gather [hbm4b:s13+s2], $0x8000, $0x38;
	[tilespmem:$0x18080] =	vst v63  }
0x18: {  	_ =	swait.ge [sflag:s8], $0x8000  }
0x19: {  	[sflag:s8] =	ssyncset.done $0x0  }
0x1a: {  	s14 =	sadd.s32 $0x6800, s23;
	[sflag:s8] =	ssyncadd.s32 $0xFFFF8000  }
0x1b: {  	[tilespmem:s2], [sflag:$0x1] =	stream.linear.gather [hbm4b:s14+s2], $0x8000, $0x38;
	[tilespmem:$0x18080] =	vst v63  }
0x1c: {  	_ =	swait.ge [sflag:s10], $0x8000  }
0x1d: {  	[sflag:s10] =	ssyncset.done $0x0  }
0x1e: {  	s15 =	sadd.s32 $0x7800, s23;
	[sflag:s10] =	ssyncadd.s32 $0xFFFF8000  }
0x1f: {  	[tilespmem:s5], [sflag:$0x2] =	stream.linear.gather [hbm4b:s15+s2], $0x8000, $0x38;
	[tilespmem:$0x18080] =	vst v63  }
0x20: {  	_ =	swait.ge [sflag:s12], $0x8000  }
0x21: {  	[sflag:s12] =	ssyncset.done $0x0  }
0x22: {  	s16 =	sadd.s32 $0x8800, s23;
	[sflag:s12] =	ssyncadd.s32 $0xFFFF8000  }
0x23: {  	[tilespmem:s7], [sflag:$0x3] =	stream.linear.gather [hbm4b:s16+s2], $0x8000, $0x38;
	[tilespmem:$0x18080] =	vst v63  }
0x24: {  	_ =	swait.ge [sflag:s8], $0x8000  }
0x25: {  	[sflag:s8] =	ssyncset.done $0x0  }
0x26: {  	s17 =	sadd.s32 $0x9800, s23;
	[sflag:s8] =	ssyncadd.s32 $0xFFFF8000  }
0x27: {  	[tilespmem:s2], [sflag:$0x1] =	stream.linear.gather [hbm4b:s17+s2], $0x8000, $0x38;
	[tilespmem:$0x18080] =	vst v63  }
0x28: {  	_ =	swait.ge [sflag:s10], $0x8000  }
0x29: {  	[sflag:s10] =	ssyncset.done $0x0  }
0x2a: {  	s18 =	sadd.s32 $0xA800, s23;
	[sflag:s10] =	ssyncadd.s32 $0xFFFF8000  }
0x2b: {  	[tilespmem:s5], [sflag:$0x2] =	stream.linear.gather [hbm4b:s18+s2], $0x8000, $0x38;
	[tilespmem:$0x18080] =	vst v63  }
0x2c: {  	_ =	swait.ge [sflag:s12], $0x8000  }
0x2d: {  	[sflag:s12] =	ssyncset.done $0x0  }
0x2e: {  	s19 =	sadd.s32 $0xB800, s23;
	[sflag:s12] =	ssyncadd.s32 $0xFFFF8000  }
0x2f: {  	[tilespmem:s7], [sflag:$0x3] =	stream.linear.gather [hbm4b:s19+s2], $0x8000, $0x38;
	[tilespmem:$0x18080] =	vst v63  }
0x30: {  	_ =	swait.ge [sflag:s8], $0x8000  }
0x31: {  	[sflag:s8] =	ssyncset.done $0x0  }
0x32: {  	s20 =	sadd.s32 $0xC800, s23;
	[sflag:s8] =	ssyncadd.s32 $0xFFFF8000  }
0x33: {  	[tilespmem:s2], [sflag:$0x1] =	stream.linear.gather [hbm4b:s20+s2], $0x8000, $0x38;
	[tilespmem:$0x18080] =	vst v63  }
0x34: {  	_ =	swait.ge [sflag:s10], $0x8000  }
0x35: {  	[sflag:s10] =	ssyncset.done $0x0  }
0x36: {  	s21 =	sadd.s32 $0xD800, s23;
	[sflag:s10] =	ssyncadd.s32 $0xFFFF8000  }
0x37: {  	[tilespmem:s5], [sflag:$0x2] =	stream.linear.gather [hbm4b:s21+s2], $0x8000, $0x38;
	[tilespmem:$0x18080] =	vst v63  }
0x38: {  	_ =	swait.ge [sflag:s12], $0x8000  }
0x39: {  	[sflag:s12] =	ssyncset.done $0x0  }
0x3a: {  	s22 =	sadd.s32 $0xE800, s23;
	[sflag:s12] =	ssyncadd.s32 $0xFFFF8000  }
0x3b: {  	[tilespmem:s7], [sflag:$0x3] =	stream.linear.gather [hbm4b:s22+s2], $0x8000, $0x38;
	[tilespmem:$0x18080] =	vst v63  }
0x3c: {  	_ =	swait.ge [sflag:s8], $0x8000  }
0x3d: {  	[sflag:s8] =	ssyncset.done $0x0  }
0x3e: {  	s23 =	sadd.s32 $0xF800, s23;
	[sflag:s8] =	ssyncadd.s32 $0xFFFF8000  }
0x3f: {  	[tilespmem:s2], [sflag:$0x1] =	stream.linear.gather [hbm4b:s23+s2], $0x8000, $0x38;
	[tilespmem:$0x18080] =	vst v63  }
0x40: {  	_ =	swait.ge [sflag:s10], $0x8000  }
0x41: {  	[sflag:s10] =	ssyncset.done $0x0  }
0x42: {  	[sflag:s10] =	ssyncadd.s32 $0xFFFF8000  }
0x43: {  	_ =	swait.ge [sflag:s12], $0x8000  }
0x44: {  	[sflag:s12] =	ssyncset.done $0x0  }
0x45: {  	[sflag:s12] =	ssyncadd.s32 $0xFFFF8000  }
0x46: {  	_ =	swait.ge [sflag:s8], $0x8000  }
0x47: {  	[sflag:s8] =	ssyncset.done $0x0  }
0x48: {  	s24 =	ssub.s32 $0x2, s24;
	[sflag:s8] =	ssyncadd.s32 $0xFFFF8000  }
0x49: {  	s26 =	sshll.u32 s26, $0x4;
	s31 =	sshrl.u32 s24, $0x1;
	v0 =	vld [tilespmem:$0x0]  }
0x4a: {  	s25 =	sadd.s32 s26, s25;
	s26 =	ssub.s32 s24, s31  }
0x4b: {  	s28 =	smax.u32 s26, $0x1  }
0x4c: {  	p0 =	sne.s32 s28, $0x1  }
.Ltmp0:
0x4d: {  	_ = 	snop;
	(pc) =	sbr.rel @!p0 .LBB2_2-.Ltmp0, $4  }
0x4e: {  	s24 =	sadd.s32 $0x200800, s25;
	s25 =	simm.s32 $0x18000;
	s26 =	simm.s32 $0x4;
	[tilespmem:$0x18000] =	vst v0  }
0x4f: {  	[hbm4b:s24+s2] =	stream.linear.scatter [tilespmem:s25], [sflag:$0x4], $0x80, $0x38;
	[tilespmem:$0x18080] =	vst v63  }
0x50: {  	_ =	swait.ge [sflag:s26], $0x80  }
0x51: {  	s28 =	sadd.s32 $0xFFFFFFFF, s28;
	[sflag:s26] =	ssyncset.done $0x0  }
.LBB2_1:
0x52: {  	p0 =	sne.s32 s28, $0x1;
	s28 =	sadd.s32 $0xFFFFFFFF, s28;
	[sflag:s26] =	ssyncadd.s32 $0xFFFFFF80  }
0x53: {  	[tilespmem:s2], [sflag:$0x1] =	stream.linear.gather [hbm4b:s3+s2], $0x8000, $0x38;
	[tilespmem:$0x18080] =	vst v63  }
0x54: {  	_ = 	snop  }
0x55: {  	[tilespmem:s5], [sflag:$0x2] =	stream.linear.gather [hbm4b:s4+s2], $0x8000, $0x38;
	[tilespmem:$0x18080] =	vst v63  }
0x56: {  	_ = 	snop  }
0x57: {  	[tilespmem:s7], [sflag:$0x3] =	stream.linear.gather [hbm4b:s6+s2], $0x8000, $0x38;
	[tilespmem:$0x18080] =	vst v63  }
0x58: {  	_ =	swait.ge [sflag:s8], $0x8000  }
0x59: {  	[sflag:s8] =	ssyncset.done $0x0  }
0x5a: {  	[sflag:s8] =	ssyncadd.s32 $0xFFFF8000  }
0x5b: {  	[tilespmem:s2], [sflag:$0x1] =	stream.linear.gather [hbm4b:s9+s2], $0x8000, $0x38;
	[tilespmem:$0x18080] =	vst v63  }
0x5c: {  	_ =	swait.ge [sflag:s10], $0x8000  }
0x5d: {  	[sflag:s10] =	ssyncset.done $0x0  }
0x5e: {  	[sflag:s10] =	ssyncadd.s32 $0xFFFF8000  }
0x5f: {  	[tilespmem:s5], [sflag:$0x2] =	stream.linear.gather [hbm4b:s11+s2], $0x8000, $0x38;
	[tilespmem:$0x18080] =	vst v63  }
0x60: {  	_ =	swait.ge [sflag:s12], $0x8000  }
0x61: {  	[sflag:s12] =	ssyncset.done $0x0  }
0x62: {  	[sflag:s12] =	ssyncadd.s32 $0xFFFF8000  }
0x63: {  	[tilespmem:s7], [sflag:$0x3] =	stream.linear.gather [hbm4b:s13+s2], $0x8000, $0x38;
	[tilespmem:$0x18080] =	vst v63  }
0x64: {  	_ =	swait.ge [sflag:s8], $0x8000  }
0x65: {  	[sflag:s8] =	ssyncset.done $0x0  }
0x66: {  	[sflag:s8] =	ssyncadd.s32 $0xFFFF8000  }
0x67: {  	[tilespmem:s2], [sflag:$0x1] =	stream.linear.gather [hbm4b:s14+s2], $0x8000, $0x38;
	[tilespmem:$0x18080] =	vst v63  }
0x68: {  	_ =	swait.ge [sflag:s10], $0x8000  }
0x69: {  	[sflag:s10] =	ssyncset.done $0x0  }
0x6a: {  	[sflag:s10] =	ssyncadd.s32 $0xFFFF8000  }
0x6b: {  	[tilespmem:s5], [sflag:$0x2] =	stream.linear.gather [hbm4b:s15+s2], $0x8000, $0x38;
	[tilespmem:$0x18080] =	vst v63  }
0x6c: {  	_ =	swait.ge [sflag:s12], $0x8000  }
0x6d: {  	[sflag:s12] =	ssyncset.done $0x0  }
0x6e: {  	[sflag:s12] =	ssyncadd.s32 $0xFFFF8000  }
0x6f: {  	[tilespmem:s7], [sflag:$0x3] =	stream.linear.gather [hbm4b:s16+s2], $0x8000, $0x38;
	[tilespmem:$0x18080] =	vst v63  }
0x70: {  	_ =	swait.ge [sflag:s8], $0x8000  }
0x71: {  	[sflag:s8] =	ssyncset.done $0x0  }
0x72: {  	[sflag:s8] =	ssyncadd.s32 $0xFFFF8000  }
0x73: {  	[tilespmem:s2], [sflag:$0x1] =	stream.linear.gather [hbm4b:s17+s2], $0x8000, $0x38;
	[tilespmem:$0x18080] =	vst v63  }
0x74: {  	_ =	swait.ge [sflag:s10], $0x8000  }
0x75: {  	[sflag:s10] =	ssyncset.done $0x0  }
0x76: {  	[sflag:s10] =	ssyncadd.s32 $0xFFFF8000  }
0x77: {  	[tilespmem:s5], [sflag:$0x2] =	stream.linear.gather [hbm4b:s18+s2], $0x8000, $0x38;
	[tilespmem:$0x18080] =	vst v63  }
0x78: {  	_ =	swait.ge [sflag:s12], $0x8000  }
0x79: {  	[sflag:s12] =	ssyncset.done $0x0  }
0x7a: {  	[sflag:s12] =	ssyncadd.s32 $0xFFFF8000  }
0x7b: {  	[tilespmem:s7], [sflag:$0x3] =	stream.linear.gather [hbm4b:s19+s2], $0x8000, $0x38;
	[tilespmem:$0x18080] =	vst v63  }
0x7c: {  	_ =	swait.ge [sflag:s8], $0x8000  }
0x7d: {  	[sflag:s8] =	ssyncset.done $0x0  }
0x7e: {  	[sflag:s8] =	ssyncadd.s32 $0xFFFF8000  }
0x7f: {  	[tilespmem:s2], [sflag:$0x1] =	stream.linear.gather [hbm4b:s20+s2], $0x8000, $0x38;
	[tilespmem:$0x18080] =	vst v63  }
0x80: {  	_ =	swait.ge [sflag:s10], $0x8000  }
0x81: {  	[sflag:s10] =	ssyncset.done $0x0  }
0x82: {  	[sflag:s10] =	ssyncadd.s32 $0xFFFF8000  }
0x83: {  	[tilespmem:s5], [sflag:$0x2] =	stream.linear.gather [hbm4b:s21+s2], $0x8000, $0x38;
	[tilespmem:$0x18080] =	vst v63  }
0x84: {  	_ =	swait.ge [sflag:s12], $0x8000  }
0x85: {  	[sflag:s12] =	ssyncset.done $0x0  }
0x86: {  	[sflag:s12] =	ssyncadd.s32 $0xFFFF8000  }
0x87: {  	[tilespmem:s7], [sflag:$0x3] =	stream.linear.gather [hbm4b:s22+s2], $0x8000, $0x38;
	[tilespmem:$0x18080] =	vst v63  }
0x88: {  	_ =	swait.ge [sflag:s8], $0x8000  }
0x89: {  	[sflag:s8] =	ssyncset.done $0x0  }
0x8a: {  	[sflag:s8] =	ssyncadd.s32 $0xFFFF8000  }
0x8b: {  	[tilespmem:s2], [sflag:$0x1] =	stream.linear.gather [hbm4b:s23+s2], $0x8000, $0x38;
	[tilespmem:$0x18080] =	vst v63  }
0x8c: {  	_ =	swait.ge [sflag:s10], $0x8000  }
0x8d: {  	[sflag:s10] =	ssyncset.done $0x0  }
0x8e: {  	[sflag:s10] =	ssyncadd.s32 $0xFFFF8000  }
0x8f: {  	_ =	swait.ge [sflag:s12], $0x8000  }
0x90: {  	[sflag:s12] =	ssyncset.done $0x0  }
0x91: {  	[sflag:s12] =	ssyncadd.s32 $0xFFFF8000  }
0x92: {  	_ =	swait.ge [sflag:s8], $0x8000  }
0x93: {  	[sflag:s8] =	ssyncset.done $0x0  }
0x94: {  	[sflag:s8] =	ssyncadd.s32 $0xFFFF8000  }
0x95: {  	v0 =	vld [tilespmem:$0x0];
	_ =	sdelay $0x3  }
.Ltmp1:
0x96: {  	(pc) =	sbr.rel @p0 .LBB2_1-.Ltmp1, $4  }
0x97: {  	[tilespmem:$0x18000] =	vst v0  }
0x98: {  	[hbm4b:s24+s2] =	stream.linear.scatter [tilespmem:s25], [sflag:$0x4], $0x80, $0x38;
	[tilespmem:$0x18080] =	vst v63  }
0x99: {  	_ =	swait.ge [sflag:s26], $0x80  }
0x9a: {  	[sflag:s26] =	ssyncset.done $0x0  }
.LBB2_2:
0x9b: {  	[sflag:s26] =	ssyncadd.s32 $0xFFFFFF80  }
0x9c: {  	_ =	sfence.sel $0x180000  }
0x9d: {  	[bflag:$0x0] =	sbarrier.arrive $0xFFFF  }
0x9e: {  	p0 =	sne.s32 s0, $0x0;
	_ =	strace $0x90000047  }
0x9f: {  	s0 =	sadd.s32 @!p0 $0x100000, s1;
	[bflag:$0x2] =	sbarrier.arrive $0xFFFF  }
0xa0: {  	[sflag:s0] =	ssyncadd.tile.s32 @!p0 $0x1;
	_ =	shalt  }
.Lfunc_end2:
_tile_overlayer_lowered:
.L_overlay_start_2:
0xa1: {  	(tag) =	ssettag $0x2  }
0xa2: {  	s0 =	rddreg [dreg:$0x0];
	s2 =	stileid.u32  }
0xa3: {  	s1 =	rddreg [dreg:$0x1];
	p0 =	sne.s32 s2, $0x0  }
0xa4: {  	s3 =	rddreg [dreg:$0x2];
	[bflag:$0x3] =	sbarrier.arrive $0xFFFF;
	s2 =	simm.s32 @!p0 $0x1C04  }
0xa5: {  	[timem:s3], [sflag:s2] =	dma.local @!p0 [hbm:s0], s1  }
0xa6: {  	s0 =	simm.s32 @!p0 $0x4  }
0xa7: {  	_ =	swait.ge @!p0 [sflag:s0], s1  }
0xa8: {  	s1 =	ssub.s32 @!p0 $0x0, s1;
	[sflag:s0] =	ssyncset.done @!p0 $0x0  }
0xa9: {  	[sflag:s0] =	ssyncadd.s32 @!p0 s1  }
0xaa: {  	[bflag:$0x3] =	sbarrier.arrive $0xFFFF  }
0xab: {  	_ =	shalt  }

</sc_bundles>
